<compile_context>
chip_gen: v7x
topology: tpu7x:2x2x1
jax: 0.10.2.dev20260603
libtpu: 0.0.44.dev20260713+nightly
codegen_flags: <defaults>
</compile_context>

<pallas_src>
import functools

import jax
import jax.numpy as jnp
from jax import lax
from jax.experimental import pallas as pl
from jax.experimental.pallas import tpu as pltpu
from jax.experimental.pallas import tpu_sc as plsc

_G = 2
_V = 320
_GV = _G * _V

_BM = 1024
_CH = 128

_KS0 = 0
_KS1 = 42
_KS2 = 0x1BD11BDA ^ _KS0 ^ _KS1
_ROTS = ((13, 15, 26, 6), (17, 29, 16, 24))


def _uniform_042(p):
    ks = (jnp.uint32(_KS0), jnp.uint32(_KS1), jnp.uint32(_KS2))
    x0 = jnp.full_like(p, ks[0])
    x1 = p + ks[1]
    for r in range(5):
        for rot in _ROTS[r % 2]:
            x0 = x0 + x1
            x1 = (x1 << jnp.uint32(rot)) | (x1 >> jnp.uint32(32 - rot))
            x1 = x1 ^ x0
        x0 = x0 + ks[(r + 1) % 3]
        x1 = x1 + ks[(r + 2) % 3] + jnp.uint32(r + 1)
    bits = x0 ^ x1
    f = lax.bitcast_convert_type(
        (bits >> jnp.uint32(9)) | jnp.uint32(0x3F800000), jnp.float32)
    f = f - jnp.float32(1.0)
    return jnp.maximum(jnp.float32(1e-10),
                       f * jnp.float32(1.0 - 1e-10) + jnp.float32(1e-10))


def _tc_body(w_ref, hs_ref, bt_ref, idx0_ref, idx1_ref, accum_ref, perp_ref,
             *, n_rows, n_steps):
    i = pl.program_id(0)
    ht = lax.dot_general(w_ref[...], hs_ref[...],
                         (((0,), (1,)), ((), ())),
                         preferred_element_type=jnp.float32) + bt_ref[...]
    rowc = lax.broadcasted_iota(jnp.int32, ht.shape, 0)
    lanet = lax.broadcasted_iota(jnp.int32, ht.shape, 1)
    p = ((i * _BM + lanet) * _GV + rowc).astype(jnp.uint32)
    u = _uniform_042(p)
    z = ht - jnp.log(-jnp.log(u))
    g0 = rowc < _V
    neg = jnp.float32(-jnp.inf)
    m0 = jnp.max(jnp.where(g0, z, neg), axis=0, keepdims=True)
    m1 = jnp.max(jnp.where(g0, neg, z), axis=0, keepdims=True)
    idx0 = jnp.min(jnp.where(g0 & (z == m0), rowc, _GV), axis=0,
                   keepdims=True)
    idx1 = jnp.min(jnp.where((~g0) & (z == m1), rowc, _GV), axis=0,
                   keepdims=True)
    idx0_ref[...] = idx0.reshape(1, _BM // 128, 128).astype(jnp.int32)
    idx1_ref[...] = idx1.reshape(1, _BM // 128, 128).astype(jnp.int32)

    hm0 = jnp.max(jnp.where(g0, ht, neg), axis=0, keepdims=True)
    hm1 = jnp.max(jnp.where(g0, neg, ht), axis=0, keepdims=True)
    e = jnp.exp(ht - jnp.where(g0, hm0, hm1))
    s0 = jnp.sum(jnp.where(g0, e, 0.0), axis=0, keepdims=True)
    s1 = jnp.sum(jnp.where(g0, 0.0, e), axis=0, keepdims=True)
    s = e / jnp.where(g0, s0, s1)
    rowsum = jnp.sum(s, axis=1, keepdims=True)

    @pl.when(i == 0)
    def _():
        accum_ref[...] = jnp.zeros_like(accum_ref)

    accum_ref[...] += jnp.broadcast_to(rowsum, accum_ref.shape)

    @pl.when(i == n_steps - 1)
    def _():
        marg = accum_ref[...] / n_rows
        ent = marg * jnp.log(marg + 1e-7)
        gmask = lax.broadcasted_iota(jnp.int32, ent.shape, 0) < _V
        e0 = jnp.exp(-jnp.sum(jnp.where(gmask, ent, 0.0), axis=0,
                              keepdims=True))
        e1 = jnp.exp(-jnp.sum(jnp.where(gmask, 0.0, ent), axis=0,
                              keepdims=True))
        perp_ref[...] = e0 + e1


def _tc_call(hs2, W, b):
    n, d = hs2.shape
    n_steps = n // _BM
    bt = jnp.broadcast_to(b.reshape(_GV, 1), (_GV, _BM))
    return pl.pallas_call(
        functools.partial(_tc_body, n_rows=n, n_steps=n_steps),
        grid=(n_steps,),
        in_specs=[
            pl.BlockSpec((d, _GV), lambda i: (0, 0)),
            pl.BlockSpec((_BM, d), lambda i: (i, 0)),
            pl.BlockSpec((_GV, _BM), lambda i: (0, 0)),
        ],
        out_specs=[
            pl.BlockSpec((1, _BM // 128, 128), lambda i: (i, 0, 0)),
            pl.BlockSpec((1, _BM // 128, 128), lambda i: (i, 0, 0)),
            pl.BlockSpec((_GV, 128), lambda i: (0, 0)),
            pl.BlockSpec((1, 128), lambda i: (0, 0)),
        ],
        out_shape=[
            jax.ShapeDtypeStruct((n_steps, _BM // 128, 128), jnp.int32),
            jax.ShapeDtypeStruct((n_steps, _BM // 128, 128), jnp.int32),
            jax.ShapeDtypeStruct((_GV, 128), jnp.float32),
            jax.ShapeDtypeStruct((1, 128), jnp.float32),
        ],
    )(W, hs2, bt)


def _sc_gather(table, idx0, idx1, B, T):
    info = plsc.get_sparse_core_info()
    nc, ns = info.num_cores, info.num_subcores
    nw = nc * ns
    n = B * T
    d = table.shape[1]
    tpw = n // nw
    nch = tpw // _CH
    rows_per_step = _BM // 128
    wpb = T // tpw
    mesh = plsc.VectorSubcoreMesh(core_axis_name="c", subcore_axis_name="s")

    @functools.partial(
        pl.kernel, mesh=mesh,
        out_type=jax.ShapeDtypeStruct((B, T, _G * d), jnp.float32),
        scratch_types=[
            pltpu.VMEM((2, _CH, d), jnp.float32),
            pltpu.VMEM((2, _CH, d), jnp.float32),
            pltpu.VMEM((4, _CH), jnp.int32),
            pltpu.VMEM((4, _CH), jnp.int32),
            [pltpu.SemaphoreType.DMA] * 4,
            [pltpu.SemaphoreType.DMA] * 4,
        ],
    )
    def k(table_hbm, idx0_hbm, idx1_hbm, out_hbm, rows0_v, rows1_v,
          idx0_v, idx1_v, gsems, wsems):
        wid = lax.axis_index("s") * nc + lax.axis_index("c")
        wps = _BM // tpw
        step = wid // wps
        bi = wid // wpb
        t0 = (wid % wpb) * tpw
        r0 = (wid % wps) * nch
        pltpu.sync_copy(idx0_hbm.at[step, pl.ds(r0, nch)], idx0_v)
        pltpu.sync_copy(idx1_hbm.at[step, pl.ds(r0, nch)], idx1_v)

        for ch in range(nch):
            sl = ch % 2
            cp0 = pltpu.async_copy(table_hbm.at[idx0_v.at[ch]],
                                   rows0_v.at[sl], gsems[sl])
            cp1 = pltpu.async_copy(table_hbm.at[idx1_v.at[ch]],
                                   rows1_v.at[sl], gsems[2 + sl])
            dst = out_hbm.at[bi, pl.ds(t0 + ch * _CH, _CH)]
            cp0.wait()
            pltpu.sync_copy(rows0_v.at[sl], dst.at[:, pl.ds(0, d)])
            cp1.wait()
            pltpu.sync_copy(rows1_v.at[sl], dst.at[:, pl.ds(d, d)])

    return k(table, idx0, idx1)


def kernel(hidden_states, W, b, codevectors):
    B, T, D = hidden_states.shape
    n = B * T
    hs2 = hidden_states.reshape(n, D)
    idx0, idx1, _accum, perp = _tc_call(hs2, W, b)
    table = codevectors.reshape(_GV, codevectors.shape[-1])
    cv = _sc_gather(table, idx0, idx1, B, T)
    return cv, perp[0, 0].reshape(())

# --- scband reference (transcript-rebuilt; emitter-appended) ---
"""Pipeline reference for scband-wav2-vec2-pre-trainer-26001732009985 (READ-ONLY COPY).

The authoritative reference and input builder live on the scoring server;
editing this copy changes nothing except your own understanding.
"""

import jax, jax.numpy as jnp
import numpy as np

G = 2
V = 320
TAU = 2.0


def setup_inputs(seed: int = 0) -> dict:
    key = jax.random.key(seed)
    k1, k2, k3 = jax.random.split(key, 3)
    hidden_states = jax.random.normal(k1, (8, 2048, 512), dtype=jnp.float32)
    W = jax.random.normal(k2, (512, G * V), dtype=jnp.float32) * 0.02
    b = jnp.zeros((G * V,), dtype=jnp.float32)
    codevectors = jax.random.uniform(k3, (1, G * V, 256 // G), dtype=jnp.float32)
    return {"hidden_states": hidden_states, "W": W, "b": b, "codevectors": codevectors}


def _gumbel_softmax_hard(logits, tau, key):
    u = jax.random.uniform(key, logits.shape, minval=1e-10, maxval=1.0)
    g = -jnp.log(-jnp.log(u))
    y_soft = jax.nn.softmax((logits + g) / tau, axis=-1)
    idx = jnp.argmax(y_soft, axis=-1)
    y_hard = jax.nn.one_hot(idx, logits.shape[-1], dtype=logits.dtype)
    # straight-through: forward value is hard one-hot, gradient flows via y_soft
    return y_hard + y_soft - jax.lax.stop_gradient(y_soft)


def _compute_perplexity(probs):
    marginal_probs = probs.mean(axis=0)
    return jnp.exp(-jnp.sum(marginal_probs * jnp.log(marginal_probs + 1e-07), axis=-1)).sum()


def reference(hidden_states, W, b, codevectors):
    B, T, D = hidden_states.shape
    h = hidden_states @ W + b
    logits = h.reshape(B * T * G, V)
    codevector_probs = _gumbel_softmax_hard(logits.astype(jnp.float32), TAU, jax.random.key(42))
    codevector_soft_dist = jax.nn.softmax(h.reshape(B * T, G, V).astype(jnp.float32), axis=-1)
    perplexity = _compute_perplexity(codevector_soft_dist)
    # probs[:, :, None] * codebook, then sum over vars within each group == einsum
    p = codevector_probs.reshape(B * T, G, V)
    cb = codevectors.reshape(G, V, -1)
    cv = jnp.einsum('ngv,gvd->ngd', p, cb).reshape(B, T, -1)
    return cv, perplexity

if __name__ == "__main__":
    import jax
    _d = setup_inputs()
    print(jax.jit(kernel)(*tuple(_d.values())))

</pallas_src>

<mosaic_0001>
#map = affine_map<(d0, d1) -> (0, 0)>
#map1 = affine_map<(d0, d1) -> (0, 0, 0)>
module attributes {stable_mosaic.version = 14 : i64} {
  func.func @k(%arg0: i32, %arg1: i32, %arg2: memref<640x128xf32, #tpu.memory_space<hbm>>, %arg3: memref<16x8x128xi32, #tpu.memory_space<hbm>>, %arg4: memref<16x8x128xi32, #tpu.memory_space<hbm>>, %arg5: memref<8x2048x256xf32, #tpu.memory_space<hbm>>, %arg6: memref<2x128x128xf32, #tpu.memory_space<vmem>>, %arg7: memref<2x128x128xf32, #tpu.memory_space<vmem>>, %arg8: memref<4x128xi32, #tpu.memory_space<vmem>>, %arg9: memref<4x128xi32, #tpu.memory_space<vmem>>, %arg10: memref<!tpu.dma_semaphore, #tpu.memory_space<semaphore_mem>>, %arg11: memref<!tpu.dma_semaphore, #tpu.memory_space<semaphore_mem>>, %arg12: memref<!tpu.dma_semaphore, #tpu.memory_space<semaphore_mem>>, %arg13: memref<!tpu.dma_semaphore, #tpu.memory_space<semaphore_mem>>, %arg14: memref<!tpu.dma_semaphore, #tpu.memory_space<semaphore_mem>>, %arg15: memref<!tpu.dma_semaphore, #tpu.memory_space<semaphore_mem>>, %arg16: memref<!tpu.dma_semaphore, #tpu.memory_space<semaphore_mem>>, %arg17: memref<!tpu.dma_semaphore, #tpu.memory_space<semaphore_mem>>) attributes {dimension_semantics = [#tpu.dimension_semantics<core_parallel>, #tpu.dimension_semantics<subcore_parallel>], iteration_bounds = array<i64: 2, 16>, scalar_prefetch = 0 : i64, scratch_operands = 12 : i64, tpu.core_type = #tpu.core_type<sc_vector_subcore>, window_params = [{transform_indices = #map}, {transform_indices = #map1}, {transform_indices = #map1}, {transform_indices = #map1}]} {
    %mul3A = arith.constant 2 : i32
    %mul3A_0 = arith.muli %arg1, %mul3A : i32
    %add3A = arith.addi %mul3A_0, %arg0 : i32
    %jit3A = arith.constant 2 : i32
    %div3A = arith.divsi %add3A, %jit3A : i32
    %sign3A = arith.constant 0 : i32
    %sign3A_1 = arith.cmpi sgt, %add3A, %sign3A : i32
    %sign3A_2 = arith.extui %sign3A_1 : i1 to i32
    %sign3A_3 = arith.constant 0 : i32
    %sign3A_4 = arith.cmpi slt, %add3A, %sign3A_3 : i32
    %sign3A_5 = arith.extui %sign3A_4 : i1 to i32
    %sign3A_6 = arith.subi %sign3A_2, %sign3A_5 : i32
    %sign3A_7 = arith.constant 0 : i32
    %sign3A_8 = arith.cmpi sgt, %jit3A, %sign3A_7 : i32
    %sign3A_9 = arith.extui %sign3A_8 : i1 to i32
    %sign3A_10 = arith.constant 0 : i32
    %sign3A_11 = arith.cmpi slt, %jit3A, %sign3A_10 : i32
    %sign3A_12 = arith.extui %sign3A_11 : i1 to i32
    %sign3A_13 = arith.subi %sign3A_9, %sign3A_12 : i32
    %ne3A = arith.cmpi ne, %sign3A_6, %sign3A_13 : i32
    %rem3A = arith.remsi %add3A, %jit3A : i32
    %ne3A_14 = arith.constant 0 : i32
    %ne3A_15 = arith.cmpi ne, %rem3A, %ne3A_14 : i32
    %and3A = arith.andi %ne3A, %ne3A_15 : i1
    %sub3A = arith.constant 1 : i32
    %sub3A_16 = arith.subi %div3A, %sub3A : i32
    %select_n3A = arith.select %and3A, %sub3A_16, %div3A : i32
    %jit3A_17 = arith.constant 4 : i32
    %div3A_18 = arith.divsi %add3A, %jit3A_17 : i32
    %sign3A_19 = arith.constant 0 : i32
    %sign3A_20 = arith.cmpi sgt, %add3A, %sign3A_19 : i32
    %sign3A_21 = arith.extui %sign3A_20 : i1 to i32
    %sign3A_22 = arith.constant 0 : i32
    %sign3A_23 = arith.cmpi slt, %add3A, %sign3A_22 : i32
    %sign3A_24 = arith.extui %sign3A_23 : i1 to i32
    %sign3A_25 = arith.subi %sign3A_21, %sign3A_24 : i32
    %sign3A_26 = arith.constant 0 : i32
    %sign3A_27 = arith.cmpi sgt, %jit3A_17, %sign3A_26 : i32
    %sign3A_28 = arith.extui %sign3A_27 : i1 to i32
    %sign3A_29 = arith.constant 0 : i32
    %sign3A_30 = arith.cmpi slt, %jit3A_17, %sign3A_29 : i32
    %sign3A_31 = arith.extui %sign3A_30 : i1 to i32
    %sign3A_32 = arith.subi %sign3A_28, %sign3A_31 : i32
    %ne3A_33 = arith.cmpi ne, %sign3A_25, %sign3A_32 : i32
    %rem3A_34 = arith.remsi %add3A, %jit3A_17 : i32
    %ne3A_35 = arith.constant 0 : i32
    %ne3A_36 = arith.cmpi ne, %rem3A_34, %ne3A_35 : i32
    %and3A_37 = arith.andi %ne3A_33, %ne3A_36 : i1
    %sub3A_38 = arith.constant 1 : i32
    %sub3A_39 = arith.subi %div3A_18, %sub3A_38 : i32
    %select_n3A_40 = arith.select %and3A_37, %sub3A_39, %div3A_18 : i32
    %jit3A_41 = arith.constant 4 : i32
    %eq3A = arith.constant 0 : i32
    %eq3A_42 = arith.cmpi eq, %jit3A_41, %eq3A : i32
    %jit3A_43 = arith.constant 1 : i32
    %select_n3A_44 = arith.select %eq3A_42, %jit3A_43, %jit3A_41 : i32
    %rem3A_45 = arith.remsi %add3A, %select_n3A_44 : i32
    %ne3A_46 = arith.constant 0 : i32
    %ne3A_47 = arith.cmpi ne, %rem3A_45, %ne3A_46 : i32
    %lt3A = arith.constant 0 : i32
    %lt3A_48 = arith.cmpi slt, %rem3A_45, %lt3A : i32
    %lt3A_49 = arith.constant 0 : i32
    %lt3A_50 = arith.cmpi slt, %select_n3A_44, %lt3A_49 : i32
    %ne3A_51 = arith.xori %lt3A_48, %lt3A_50 : i1
    %and3A_52 = arith.andi %ne3A_51, %ne3A_47 : i1
    %add3A_53 = arith.addi %rem3A_45, %select_n3A_44 : i32
    %select_n3A_54 = arith.select %and3A_52, %add3A_53, %rem3A_45 : i32
    %mul3A_55 = arith.constant 512 : i32
    %mul3A_56 = arith.muli %select_n3A_54, %mul3A_55 : i32
    %jit3A_57 = arith.constant 2 : i32
    %eq3A_58 = arith.constant 0 : i32
    %eq3A_59 = arith.cmpi eq, %jit3A_57, %eq3A_58 : i32
    %jit3A_60 = arith.constant 1 : i32
    %select_n3A_61 = arith.select %eq3A_59, %jit3A_60, %jit3A_57 : i32
    %rem3A_62 = arith.remsi %add3A, %select_n3A_61 : i32
    %ne3A_63 = arith.constant 0 : i32
    %ne3A_64 = arith.cmpi ne, %rem3A_62, %ne3A_63 : i32
    %lt3A_65 = arith.constant 0 : i32
    %lt3A_66 = arith.cmpi slt, %rem3A_62, %lt3A_65 : i32
    %lt3A_67 = arith.constant 0 : i32
    %lt3A_68 = arith.cmpi slt, %select_n3A_61, %lt3A_67 : i32
    %ne3A_69 = arith.xori %lt3A_66, %lt3A_68 : i1
    %and3A_70 = arith.andi %ne3A_69, %ne3A_64 : i1
    %add3A_71 = arith.addi %rem3A_62, %select_n3A_61 : i32
    %select_n3A_72 = arith.select %and3A_70, %add3A_71, %rem3A_62 : i32
    %mul3A_73 = arith.constant 4 : i32
    %mul3A_74 = arith.muli %select_n3A_72, %mul3A_73 : i32
    "tpu.region"() ({
      %run_scoped3A_280 = tpu.sem_alloc : memref<!tpu.dma_semaphore, #tpu.memory_space<semaphore_mem>>
      %dma_start3A_281 = arith.constant 0 : i32
      %dma_start3A_282 = tpu.memref_slice %arg3[%select_n3A, %mul3A_74, %dma_start3A_281] : memref<16x8x128xi32, #tpu.memory_space<hbm>> -> memref<1x4x128xi32, #tpu.memory_space<hbm>>
      %dma_start3A_283 = tpu.memref_squeeze %dma_start3A_282 : memref<1x4x128xi32, #tpu.memory_space<hbm>> -> memref<4x128xi32, #tpu.memory_space<hbm>>
      %dma_start3A_284 = arith.constant 0 : i32
      %dma_start3A_285 = tpu.memref_slice %arg3[%select_n3A, %mul3A_74, %dma_start3A_284] : memref<16x8x128xi32, #tpu.memory_space<hbm>> -> memref<1x4x128xi32, #tpu.memory_space<hbm>>
      %dma_start3A_286 = tpu.memref_squeeze %dma_start3A_285 : memref<1x4x128xi32, #tpu.memory_space<hbm>> -> memref<4x128xi32, #tpu.memory_space<hbm>>
      tpu.enqueue_dma source(%dma_start3A_286 : memref<4x128xi32, #tpu.memory_space<hbm>>) target(%arg8 : memref<4x128xi32, #tpu.memory_space<vmem>>) target_semaphore(%run_scoped3A_280 : memref<!tpu.dma_semaphore, #tpu.memory_space<semaphore_mem>>)
      %dma_wait3A_287 = arith.constant 0 : i32
      %dma_wait3A_288 = tpu.memref_slice %arg3[%select_n3A, %mul3A_74, %dma_wait3A_287] : memref<16x8x128xi32, #tpu.memory_space<hbm>> -> memref<1x4x128xi32, #tpu.memory_space<hbm>>
      %dma_wait3A_289 = tpu.memref_squeeze %dma_wait3A_288 : memref<1x4x128xi32, #tpu.memory_space<hbm>> -> memref<4x128xi32, #tpu.memory_space<hbm>>
      %dma_wait3A_290 = arith.constant 0 : i32
      %dma_wait3A_291 = tpu.memref_slice %arg3[%select_n3A, %mul3A_74, %dma_wait3A_290] : memref<16x8x128xi32, #tpu.memory_space<hbm>> -> memref<1x4x128xi32, #tpu.memory_space<hbm>>
      %dma_wait3A_292 = tpu.memref_squeeze %dma_wait3A_291 : memref<1x4x128xi32, #tpu.memory_space<hbm>> -> memref<4x128xi32, #tpu.memory_space<hbm>>
      tpu.wait_dma2 semaphore(%run_scoped3A_280 : memref<!tpu.dma_semaphore, #tpu.memory_space<semaphore_mem>>) src(%dma_wait3A_292 : memref<4x128xi32, #tpu.memory_space<hbm>>) dst(%arg8 : memref<4x128xi32, #tpu.memory_space<vmem>>)
      tpu.yield
    }) : () -> ()
    "tpu.region"() ({
      %run_scoped3A_280 = tpu.sem_alloc : memref<!tpu.dma_semaphore, #tpu.memory_space<semaphore_mem>>
      %dma_start3A_281 = arith.constant 0 : i32
      %dma_start3A_282 = tpu.memref_slice %arg4[%select_n3A, %mul3A_74, %dma_start3A_281] : memref<16x8x128xi32, #tpu.memory_space<hbm>> -> memref<1x4x128xi32, #tpu.memory_space<hbm>>
      %dma_start3A_283 = tpu.memref_squeeze %dma_start3A_282 : memref<1x4x128xi32, #tpu.memory_space<hbm>> -> memref<4x128xi32, #tpu.memory_space<hbm>>
      %dma_start3A_284 = arith.constant 0 : i32
      %dma_start3A_285 = tpu.memref_slice %arg4[%select_n3A, %mul3A_74, %dma_start3A_284] : memref<16x8x128xi32, #tpu.memory_space<hbm>> -> memref<1x4x128xi32, #tpu.memory_space<hbm>>
      %dma_start3A_286 = tpu.memref_squeeze %dma_start3A_285 : memref<1x4x128xi32, #tpu.memory_space<hbm>> -> memref<4x128xi32, #tpu.memory_space<hbm>>
      tpu.enqueue_dma source(%dma_start3A_286 : memref<4x128xi32, #tpu.memory_space<hbm>>) target(%arg9 : memref<4x128xi32, #tpu.memory_space<vmem>>) target_semaphore(%run_scoped3A_280 : memref<!tpu.dma_semaphore, #tpu.memory_space<semaphore_mem>>)
      %dma_wait3A_287 = arith.constant 0 : i32
      %dma_wait3A_288 = tpu.memref_slice %arg4[%select_n3A, %mul3A_74, %dma_wait3A_287] : memref<16x8x128xi32, #tpu.memory_space<hbm>> -> memref<1x4x128xi32, #tpu.memory_space<hbm>>
      %dma_wait3A_289 = tpu.memref_squeeze %dma_wait3A_288 : memref<1x4x128xi32, #tpu.memory_space<hbm>> -> memref<4x128xi32, #tpu.memory_space<hbm>>
      %dma_wait3A_290 = arith.constant 0 : i32
      %dma_wait3A_291 = tpu.memref_slice %arg4[%select_n3A, %mul3A_74, %dma_wait3A_290] : memref<16x8x128xi32, #tpu.memory_space<hbm>> -> memref<1x4x128xi32, #tpu.memory_space<hbm>>
      %dma_wait3A_292 = tpu.memref_squeeze %dma_wait3A_291 : memref<1x4x128xi32, #tpu.memory_space<hbm>> -> memref<4x128xi32, #tpu.memory_space<hbm>>
      tpu.wait_dma2 semaphore(%run_scoped3A_280 : memref<!tpu.dma_semaphore, #tpu.memory_space<semaphore_mem>>) src(%dma_wait3A_292 : memref<4x128xi32, #tpu.memory_space<hbm>>) dst(%arg9 : memref<4x128xi32, #tpu.memory_space<vmem>>)
      tpu.yield
    }) : () -> ()
    %dma_start3A = arith.constant 0 : i32
    %dma_start3A_75 = arith.constant 0 : i32
    %dma_start3A_76 = arith.constant 0 : i32
    %dma_start3A_77 = arith.constant 0 : i32
    %dma_start3A_78 = tpu.memref_slice %arg6[%dma_start3A_75, %dma_start3A_76, %dma_start3A_77] : memref<2x128x128xf32, #tpu.memory_space<vmem>> -> memref<1x128x128xf32, #tpu.memory_space<vmem>>
    %dma_start3A_79 = tpu.memref_squeeze %dma_start3A_78 : memref<1x128x128xf32, #tpu.memory_space<vmem>> -> memref<128x128xf32, #tpu.memory_space<vmem>>
    %dma_start3A_80 = arith.constant 0 : i32
    %dma_start3A_81 = tpu.memref_slice %arg8[%dma_start3A, %dma_start3A_80] : memref<4x128xi32, #tpu.memory_space<vmem>> -> memref<1x128xi32, #tpu.memory_space<vmem>>
    %dma_start3A_82 = tpu.memref_squeeze %dma_start3A_81 : memref<1x128xi32, #tpu.memory_space<vmem>> -> memref<128xi32, #tpu.memory_space<vmem>>
    %dma_start3A_83 = arith.constant 0 : i32
    %dma_start3A_84 = arith.constant 0 : i32
    %dma_start3A_85 = tpu.memref_slice %arg2[%dma_start3A_83, %dma_start3A_84] : memref<640x128xf32, #tpu.memory_space<hbm>> -> memref<640x128xf32, #tpu.memory_space<hbm>>
    tpu.enqueue_indirect_dma source(%dma_start3A_85 : memref<640x128xf32, #tpu.memory_space<hbm>>) target(%dma_start3A_79 : memref<128x128xf32, #tpu.memory_space<vmem>>) offsets(%dma_start3A_82 : memref<128xi32, #tpu.memory_space<vmem>>) semaphore(%arg10 : memref<!tpu.dma_semaphore, #tpu.memory_space<semaphore_mem>>)
    %dma_start3A_86 = arith.constant 0 : i32
    %dma_start3A_87 = arith.constant 0 : i32
    %dma_start3A_88 = arith.constant 0 : i32
    %dma_start3A_89 = arith.constant 0 : i32
    %dma_start3A_90 = tpu.memref_slice %arg7[%dma_start3A_87, %dma_start3A_88, %dma_start3A_89] : memref<2x128x128xf32, #tpu.memory_space<vmem>> -> memref<1x128x128xf32, #tpu.memory_space<vmem>>
    %dma_start3A_91 = tpu.memref_squeeze %dma_start3A_90 : memref<1x128x128xf32, #tpu.memory_space<vmem>> -> memref<128x128xf32, #tpu.memory_space<vmem>>
    %dma_start3A_92 = arith.constant 0 : i32
    %dma_start3A_93 = tpu.memref_slice %arg9[%dma_start3A_86, %dma_start3A_92] : memref<4x128xi32, #tpu.memory_space<vmem>> -> memref<1x128xi32, #tpu.memory_space<vmem>>
    %dma_start3A_94 = tpu.memref_squeeze %dma_start3A_93 : memref<1x128xi32, #tpu.memory_space<vmem>> -> memref<128xi32, #tpu.memory_space<vmem>>
    %dma_start3A_95 = arith.constant 0 : i32
    %dma_start3A_96 = arith.constant 0 : i32
    %dma_start3A_97 = tpu.memref_slice %arg2[%dma_start3A_95, %dma_start3A_96] : memref<640x128xf32, #tpu.memory_space<hbm>> -> memref<640x128xf32, #tpu.memory_space<hbm>>
    tpu.enqueue_indirect_dma source(%dma_start3A_97 : memref<640x128xf32, #tpu.memory_space<hbm>>) target(%dma_start3A_91 : memref<128x128xf32, #tpu.memory_space<vmem>>) offsets(%dma_start3A_94 : memref<128xi32, #tpu.memory_space<vmem>>) semaphore(%arg12 : memref<!tpu.dma_semaphore, #tpu.memory_space<semaphore_mem>>)
    %add3A_98 = arith.constant 0 : i32
    %add3A_99 = arith.addi %mul3A_56, %add3A_98 : i32
    %dma_wait3A = arith.constant 0 : i32
    %dma_wait3A_100 = arith.constant 0 : i32
    %dma_wait3A_101 = arith.constant 0 : i32
    %dma_wait3A_102 = arith.constant 0 : i32
    %dma_wait3A_103 = tpu.memref_slice %arg6[%dma_wait3A_100, %dma_wait3A_101, %dma_wait3A_102] : memref<2x128x128xf32, #tpu.memory_space<vmem>> -> memref<1x128x128xf32, #tpu.memory_space<vmem>>
    %dma_wait3A_104 = tpu.memref_squeeze %dma_wait3A_103 : memref<1x128x128xf32, #tpu.memory_space<vmem>> -> memref<128x128xf32, #tpu.memory_space<vmem>>
    %dma_wait3A_105 = arith.constant 0 : i32
    %dma_wait3A_106 = tpu.memref_slice %arg8[%dma_wait3A, %dma_wait3A_105] : memref<4x128xi32, #tpu.memory_space<vmem>> -> memref<1x128xi32, #tpu.memory_space<vmem>>
    %dma_wait3A_107 = tpu.memref_squeeze %dma_wait3A_106 : memref<1x128xi32, #tpu.memory_space<vmem>> -> memref<128xi32, #tpu.memory_space<vmem>>
    %dma_wait3A_108 = arith.constant 0 : i32
    %dma_wait3A_109 = arith.constant 0 : i32
    %dma_wait3A_110 = tpu.memref_slice %arg2[%dma_wait3A_108, %dma_wait3A_109] : memref<640x128xf32, #tpu.memory_space<hbm>> -> memref<640x128xf32, #tpu.memory_space<hbm>>
    tpu.wait_indirect_dma semaphore(%arg10 : memref<!tpu.dma_semaphore, #tpu.memory_space<semaphore_mem>>) src(%dma_wait3A_110 : memref<640x128xf32, #tpu.memory_space<hbm>>) dst(%dma_wait3A_104 : memref<128x128xf32, #tpu.memory_space<vmem>>)
    %run_scoped3A = arith.constant 0 : i32
    "tpu.region"() ({
      %run_scoped3A_280 = tpu.sem_alloc : memref<!tpu.dma_semaphore, #tpu.memory_space<semaphore_mem>>
      %dma_start3A_281 = arith.constant 0 : i32
      %dma_start3A_282 = arith.constant 0 : i32
      %dma_start3A_283 = tpu.memref_slice %arg6[%run_scoped3A, %dma_start3A_281, %dma_start3A_282] : memref<2x128x128xf32, #tpu.memory_space<vmem>> -> memref<1x128x128xf32, #tpu.memory_space<vmem>>
      %dma_start3A_284 = tpu.memref_squeeze %dma_start3A_283 : memref<1x128x128xf32, #tpu.memory_space<vmem>> -> memref<128x128xf32, #tpu.memory_space<vmem>>
      %dma_start3A_285 = arith.constant 0 : i32
      %dma_start3A_286 = tpu.memref_slice %arg5[%select_n3A_40, %add3A_99, %dma_start3A_285] : memref<8x2048x256xf32, #tpu.memory_space<hbm>> -> memref<1x128x256xf32, #tpu.memory_space<hbm>>
      %dma_start3A_287 = tpu.memref_squeeze %dma_start3A_286 : memref<1x128x256xf32, #tpu.memory_space<hbm>> -> memref<128x256xf32, #tpu.memory_space<hbm>>
      %dma_start3A_288 = arith.constant 0 : i32
      %dma_start3A_289 = arith.constant 0 : i32
      %dma_start3A_290 = tpu.memref_slice %dma_start3A_287[%dma_start3A_288, %dma_start3A_289] : memref<128x256xf32, #tpu.memory_space<hbm>> -> memref<128x128xf32, #tpu.memory_space<hbm>>
      %dma_start3A_291 = arith.constant 0 : i32
      %dma_start3A_292 = tpu.memref_slice %arg5[%select_n3A_40, %add3A_99, %dma_start3A_291] : memref<8x2048x256xf32, #tpu.memory_space<hbm>> -> memref<1x128x256xf32, #tpu.memory_space<hbm>>
      %dma_start3A_293 = tpu.memref_squeeze %dma_start3A_292 : memref<1x128x256xf32, #tpu.memory_space<hbm>> -> memref<128x256xf32, #tpu.memory_space<hbm>>
      %dma_start3A_294 = arith.constant 0 : i32
      %dma_start3A_295 = arith.constant 0 : i32
      %dma_start3A_296 = tpu.memref_slice %dma_start3A_293[%dma_start3A_294, %dma_start3A_295] : memref<128x256xf32, #tpu.memory_space<hbm>> -> memref<128x128xf32, #tpu.memory_space<hbm>>
      %dma_start3A_297 = arith.constant 0 : i32
      %dma_start3A_298 = arith.constant 0 : i32
      %dma_start3A_299 = tpu.memref_slice %arg6[%run_scoped3A, %dma_start3A_297, %dma_start3A_298] : memref<2x128x128xf32, #tpu.memory_space<vmem>> -> memref<1x128x128xf32, #tpu.memory_space<vmem>>
      %dma_start3A_300 = tpu.memref_squeeze %dma_start3A_299 : memref<1x128x128xf32, #tpu.memory_space<vmem>> -> memref<128x128xf32, #tpu.memory_space<vmem>>
      tpu.enqueue_dma source(%dma_start3A_300 : memref<128x128xf32, #tpu.memory_space<vmem>>) target(%dma_start3A_296 : memref<128x128xf32, #tpu.memory_space<hbm>>) target_semaphore(%run_scoped3A_280 : memref<!tpu.dma_semaphore, #tpu.memory_space<semaphore_mem>>)
      %dma_wait3A_301 = arith.constant 0 : i32
      %dma_wait3A_302 = arith.constant 0 : i32
      %dma_wait3A_303 = tpu.memref_slice %arg6[%run_scoped3A, %dma_wait3A_301, %dma_wait3A_302] : memref<2x128x128xf32, #tpu.memory_space<vmem>> -> memref<1x128x128xf32, #tpu.memory_space<vmem>>
      %dma_wait3A_304 = tpu.memref_squeeze %dma_wait3A_303 : memref<1x128x128xf32, #tpu.memory_space<vmem>> -> memref<128x128xf32, #tpu.memory_space<vmem>>
      %dma_wait3A_305 = arith.constant 0 : i32
      %dma_wait3A_306 = tpu.memref_slice %arg5[%select_n3A_40, %add3A_99, %dma_wait3A_305] : memref<8x2048x256xf32, #tpu.memory_space<hbm>> -> memref<1x128x256xf32, #tpu.memory_space<hbm>>
      %dma_wait3A_307 = tpu.memref_squeeze %dma_wait3A_306 : memref<1x128x256xf32, #tpu.memory_space<hbm>> -> memref<128x256xf32, #tpu.memory_space<hbm>>
      %dma_wait3A_308 = arith.constant 0 : i32
      %dma_wait3A_309 = arith.constant 0 : i32
      %dma_wait3A_310 = tpu.memref_slice %dma_wait3A_307[%dma_wait3A_308, %dma_wait3A_309] : memref<128x256xf32, #tpu.memory_space<hbm>> -> memref<128x128xf32, #tpu.memory_space<hbm>>
      %dma_wait3A_311 = arith.constant 0 : i32
      %dma_wait3A_312 = tpu.memref_slice %arg5[%select_n3A_40, %add3A_99, %dma_wait3A_311] : memref<8x2048x256xf32, #tpu.memory_space<hbm>> -> memref<1x128x256xf32, #tpu.memory_space<hbm>>
      %dma_wait3A_313 = tpu.memref_squeeze %dma_wait3A_312 : memref<1x128x256xf32, #tpu.memory_space<hbm>> -> memref<128x256xf32, #tpu.memory_space<hbm>>
      %dma_wait3A_314 = arith.constant 0 : i32
      %dma_wait3A_315 = arith.constant 0 : i32
      %dma_wait3A_316 = tpu.memref_slice %dma_wait3A_313[%dma_wait3A_314, %dma_wait3A_315] : memref<128x256xf32, #tpu.memory_space<hbm>> -> memref<128x128xf32, #tpu.memory_space<hbm>>
      %dma_wait3A_317 = arith.constant 0 : i32
      %dma_wait3A_318 = arith.constant 0 : i32
      %dma_wait3A_319 = tpu.memref_slice %arg6[%run_scoped3A, %dma_wait3A_317, %dma_wait3A_318] : memref<2x128x128xf32, #tpu.memory_space<vmem>> -> memref<1x128x128xf32, #tpu.memory_space<vmem>>
      %dma_wait3A_320 = tpu.memref_squeeze %dma_wait3A_319 : memref<1x128x128xf32, #tpu.memory_space<vmem>> -> memref<128x128xf32, #tpu.memory_space<vmem>>
      tpu.wait_dma2 semaphore(%run_scoped3A_280 : memref<!tpu.dma_semaphore, #tpu.memory_space<semaphore_mem>>) src(%dma_wait3A_320 : memref<128x128xf32, #tpu.memory_space<vmem>>) dst(%dma_wait3A_316 : memref<128x128xf32, #tpu.memory_space<hbm>>)
      tpu.yield
    }) : () -> ()
    %dma_wait3A_111 = arith.constant 0 : i32
    %dma_wait3A_112 = arith.constant 0 : i32
    %dma_wait3A_113 = arith.constant 0 : i32
    %dma_wait3A_114 = arith.constant 0 : i32
    %dma_wait3A_115 = tpu.memref_slice %arg7[%dma_wait3A_112, %dma_wait3A_113, %dma_wait3A_114] : memref<2x128x128xf32, #tpu.memory_space<vmem>> -> memref<1x128x128xf32, #tpu.memory_space<vmem>>
    %dma_wait3A_116 = tpu.memref_squeeze %dma_wait3A_115 : memref<1x128x128xf32, #tpu.memory_space<vmem>> -> memref<128x128xf32, #tpu.memory_space<vmem>>
    %dma_wait3A_117 = arith.constant 0 : i32
    %dma_wait3A_118 = tpu.memref_slice %arg9[%dma_wait3A_111, %dma_wait3A_117] : memref<4x128xi32, #tpu.memory_space<vmem>> -> memref<1x128xi32, #tpu.memory_space<vmem>>
    %dma_wait3A_119 = tpu.memref_squeeze %dma_wait3A_118 : memref<1x128xi32, #tpu.memory_space<vmem>> -> memref<128xi32, #tpu.memory_space<vmem>>
    %dma_wait3A_120 = arith.constant 0 : i32
    %dma_wait3A_121 = arith.constant 0 : i32
    %dma_wait3A_122 = tpu.memref_slice %arg2[%dma_wait3A_120, %dma_wait3A_121] : memref<640x128xf32, #tpu.memory_space<hbm>> -> memref<640x128xf32, #tpu.memory_space<hbm>>
    tpu.wait_indirect_dma semaphore(%arg12 : memref<!tpu.dma_semaphore, #tpu.memory_space<semaphore_mem>>) src(%dma_wait3A_122 : memref<640x128xf32, #tpu.memory_space<hbm>>) dst(%dma_wait3A_116 : memref<128x128xf32, #tpu.memory_space<vmem>>)
    %run_scoped3A_123 = arith.constant 0 : i32
    "tpu.region"() ({
      %run_scoped3A_280 = tpu.sem_alloc : memref<!tpu.dma_semaphore, #tpu.memory_space<semaphore_mem>>
      %dma_start3A_281 = arith.constant 0 : i32
      %dma_start3A_282 = arith.constant 0 : i32
      %dma_start3A_283 = tpu.memref_slice %arg7[%run_scoped3A_123, %dma_start3A_281, %dma_start3A_282] : memref<2x128x128xf32, #tpu.memory_space<vmem>> -> memref<1x128x128xf32, #tpu.memory_space<vmem>>
      %dma_start3A_284 = tpu.memref_squeeze %dma_start3A_283 : memref<1x128x128xf32, #tpu.memory_space<vmem>> -> memref<128x128xf32, #tpu.memory_space<vmem>>
      %dma_start3A_285 = arith.constant 0 : i32
      %dma_start3A_286 = tpu.memref_slice %arg5[%select_n3A_40, %add3A_99, %dma_start3A_285] : memref<8x2048x256xf32, #tpu.memory_space<hbm>> -> memref<1x128x256xf32, #tpu.memory_space<hbm>>
      %dma_start3A_287 = tpu.memref_squeeze %dma_start3A_286 : memref<1x128x256xf32, #tpu.memory_space<hbm>> -> memref<128x256xf32, #tpu.memory_space<hbm>>
      %dma_start3A_288 = arith.constant 0 : i32
      %dma_start3A_289 = arith.constant 128 : i32
      %dma_start3A_290 = tpu.memref_slice %dma_start3A_287[%dma_start3A_288, %dma_start3A_289] : memref<128x256xf32, #tpu.memory_space<hbm>> -> memref<128x128xf32, #tpu.memory_space<hbm>>
      %dma_start3A_291 = arith.constant 0 : i32
      %dma_start3A_292 = tpu.memref_slice %arg5[%select_n3A_40, %add3A_99, %dma_start3A_291] : memref<8x2048x256xf32, #tpu.memory_space<hbm>> -> memref<1x128x256xf32, #tpu.memory_space<hbm>>
      %dma_start3A_293 = tpu.memref_squeeze %dma_start3A_292 : memref<1x128x256xf32, #tpu.memory_space<hbm>> -> memref<128x256xf32, #tpu.memory_space<hbm>>
      %dma_start3A_294 = arith.constant 0 : i32
      %dma_start3A_295 = arith.constant 128 : i32
      %dma_start3A_296 = tpu.memref_slice %dma_start3A_293[%dma_start3A_294, %dma_start3A_295] : memref<128x256xf32, #tpu.memory_space<hbm>> -> memref<128x128xf32, #tpu.memory_space<hbm>>
      %dma_start3A_297 = arith.constant 0 : i32
      %dma_start3A_298 = arith.constant 0 : i32
      %dma_start3A_299 = tpu.memref_slice %arg7[%run_scoped3A_123, %dma_start3A_297, %dma_start3A_298] : memref<2x128x128xf32, #tpu.memory_space<vmem>> -> memref<1x128x128xf32, #tpu.memory_space<vmem>>
      %dma_start3A_300 = tpu.memref_squeeze %dma_start3A_299 : memref<1x128x128xf32, #tpu.memory_space<vmem>> -> memref<128x128xf32, #tpu.memory_space<vmem>>
      tpu.enqueue_dma source(%dma_start3A_300 : memref<128x128xf32, #tpu.memory_space<vmem>>) target(%dma_start3A_296 : memref<128x128xf32, #tpu.memory_space<hbm>>) target_semaphore(%run_scoped3A_280 : memref<!tpu.dma_semaphore, #tpu.memory_space<semaphore_mem>>)
      %dma_wait3A_301 = arith.constant 0 : i32
      %dma_wait3A_302 = arith.constant 0 : i32
      %dma_wait3A_303 = tpu.memref_slice %arg7[%run_scoped3A_123, %dma_wait3A_301, %dma_wait3A_302] : memref<2x128x128xf32, #tpu.memory_space<vmem>> -> memref<1x128x128xf32, #tpu.memory_space<vmem>>
      %dma_wait3A_304 = tpu.memref_squeeze %dma_wait3A_303 : memref<1x128x128xf32, #tpu.memory_space<vmem>> -> memref<128x128xf32, #tpu.memory_space<vmem>>
      %dma_wait3A_305 = arith.constant 0 : i32
      %dma_wait3A_306 = tpu.memref_slice %arg5[%select_n3A_40, %add3A_99, %dma_wait3A_305] : memref<8x2048x256xf32, #tpu.memory_space<hbm>> -> memref<1x128x256xf32, #tpu.memory_space<hbm>>
      %dma_wait3A_307 = tpu.memref_squeeze %dma_wait3A_306 : memref<1x128x256xf32, #tpu.memory_space<hbm>> -> memref<128x256xf32, #tpu.memory_space<hbm>>
      %dma_wait3A_308 = arith.constant 0 : i32
      %dma_wait3A_309 = arith.constant 128 : i32
      %dma_wait3A_310 = tpu.memref_slice %dma_wait3A_307[%dma_wait3A_308, %dma_wait3A_309] : memref<128x256xf32, #tpu.memory_space<hbm>> -> memref<128x128xf32, #tpu.memory_space<hbm>>
      %dma_wait3A_311 = arith.constant 0 : i32
      %dma_wait3A_312 = tpu.memref_slice %arg5[%select_n3A_40, %add3A_99, %dma_wait3A_311] : memref<8x2048x256xf32, #tpu.memory_space<hbm>> -> memref<1x128x256xf32, #tpu.memory_space<hbm>>
      %dma_wait3A_313 = tpu.memref_squeeze %dma_wait3A_312 : memref<1x128x256xf32, #tpu.memory_space<hbm>> -> memref<128x256xf32, #tpu.memory_space<hbm>>
      %dma_wait3A_314 = arith.constant 0 : i32
      %dma_wait3A_315 = arith.constant 128 : i32
      %dma_wait3A_316 = tpu.memref_slice %dma_wait3A_313[%dma_wait3A_314, %dma_wait3A_315] : memref<128x256xf32, #tpu.memory_space<hbm>> -> memref<128x128xf32, #tpu.memory_space<hbm>>
      %dma_wait3A_317 = arith.constant 0 : i32
      %dma_wait3A_318 = arith.constant 0 : i32
      %dma_wait3A_319 = tpu.memref_slice %arg7[%run_scoped3A_123, %dma_wait3A_317, %dma_wait3A_318] : memref<2x128x128xf32, #tpu.memory_space<vmem>> -> memref<1x128x128xf32, #tpu.memory_space<vmem>>
      %dma_wait3A_320 = tpu.memref_squeeze %dma_wait3A_319 : memref<1x128x128xf32, #tpu.memory_space<vmem>> -> memref<128x128xf32, #tpu.memory_space<vmem>>
      tpu.wait_dma2 semaphore(%run_scoped3A_280 : memref<!tpu.dma_semaphore, #tpu.memory_space<semaphore_mem>>) src(%dma_wait3A_320 : memref<128x128xf32, #tpu.memory_space<vmem>>) dst(%dma_wait3A_316 : memref<128x128xf32, #tpu.memory_space<hbm>>)
      tpu.yield
    }) : () -> ()
    %dma_start3A_124 = arith.constant 1 : i32
    %dma_start3A_125 = arith.constant 1 : i32
    %dma_start3A_126 = arith.constant 0 : i32
    %dma_start3A_127 = arith.constant 0 : i32
    %dma_start3A_128 = tpu.memref_slice %arg6[%dma_start3A_125, %dma_start3A_126, %dma_start3A_127] : memref<2x128x128xf32, #tpu.memory_space<vmem>> -> memref<1x128x128xf32, #tpu.memory_space<vmem>>
    %dma_start3A_129 = tpu.memref_squeeze %dma_start3A_128 : memref<1x128x128xf32, #tpu.memory_space<vmem>> -> memref<128x128xf32, #tpu.memory_space<vmem>>
    %dma_start3A_130 = arith.constant 0 : i32
    %dma_start3A_131 = tpu.memref_slice %arg8[%dma_start3A_124, %dma_start3A_130] : memref<4x128xi32, #tpu.memory_space<vmem>> -> memref<1x128xi32, #tpu.memory_space<vmem>>
    %dma_start3A_132 = tpu.memref_squeeze %dma_start3A_131 : memref<1x128xi32, #tpu.memory_space<vmem>> -> memref<128xi32, #tpu.memory_space<vmem>>
    %dma_start3A_133 = arith.constant 0 : i32
    %dma_start3A_134 = arith.constant 0 : i32
    %dma_start3A_135 = tpu.memref_slice %arg2[%dma_start3A_133, %dma_start3A_134] : memref<640x128xf32, #tpu.memory_space<hbm>> -> memref<640x128xf32, #tpu.memory_space<hbm>>
    tpu.enqueue_indirect_dma source(%dma_start3A_135 : memref<640x128xf32, #tpu.memory_space<hbm>>) target(%dma_start3A_129 : memref<128x128xf32, #tpu.memory_space<vmem>>) offsets(%dma_start3A_132 : memref<128xi32, #tpu.memory_space<vmem>>) semaphore(%arg11 : memref<!tpu.dma_semaphore, #tpu.memory_space<semaphore_mem>>)
    %dma_start3A_136 = arith.constant 1 : i32
    %dma_start3A_137 = arith.constant 1 : i32
    %dma_start3A_138 = arith.constant 0 : i32
    %dma_start3A_139 = arith.constant 0 : i32
    %dma_start3A_140 = tpu.memref_slice %arg7[%dma_start3A_137, %dma_start3A_138, %dma_start3A_139] : memref<2x128x128xf32, #tpu.memory_space<vmem>> -> memref<1x128x128xf32, #tpu.memory_space<vmem>>
    %dma_start3A_141 = tpu.memref_squeeze %dma_start3A_140 : memref<1x128x128xf32, #tpu.memory_space<vmem>> -> memref<128x128xf32, #tpu.memory_space<vmem>>
    %dma_start3A_142 = arith.constant 0 : i32
    %dma_start3A_143 = tpu.memref_slice %arg9[%dma_start3A_136, %dma_start3A_142] : memref<4x128xi32, #tpu.memory_space<vmem>> -> memref<1x128xi32, #tpu.memory_space<vmem>>
    %dma_start3A_144 = tpu.memref_squeeze %dma_start3A_143 : memref<1x128xi32, #tpu.memory_space<vmem>> -> memref<128xi32, #tpu.memory_space<vmem>>
    %dma_start3A_145 = arith.constant 0 : i32
    %dma_start3A_146 = arith.constant 0 : i32
    %dma_start3A_147 = tpu.memref_slice %arg2[%dma_start3A_145, %dma_start3A_146] : memref<640x128xf32, #tpu.memory_space<hbm>> -> memref<640x128xf32, #tpu.memory_space<hbm>>
    tpu.enqueue_indirect_dma source(%dma_start3A_147 : memref<640x128xf32, #tpu.memory_space<hbm>>) target(%dma_start3A_141 : memref<128x128xf32, #tpu.memory_space<vmem>>) offsets(%dma_start3A_144 : memref<128xi32, #tpu.memory_space<vmem>>) semaphore(%arg13 : memref<!tpu.dma_semaphore, #tpu.memory_space<semaphore_mem>>)
    %add3A_148 = arith.constant 128 : i32
    %add3A_149 = arith.addi %mul3A_56, %add3A_148 : i32
    %dma_wait3A_150 = arith.constant 1 : i32
    %dma_wait3A_151 = arith.constant 1 : i32
    %dma_wait3A_152 = arith.constant 0 : i32
    %dma_wait3A_153 = arith.constant 0 : i32
    %dma_wait3A_154 = tpu.memref_slice %arg6[%dma_wait3A_151, %dma_wait3A_152, %dma_wait3A_153] : memref<2x128x128xf32, #tpu.memory_space<vmem>> -> memref<1x128x128xf32, #tpu.memory_space<vmem>>
    %dma_wait3A_155 = tpu.memref_squeeze %dma_wait3A_154 : memref<1x128x128xf32, #tpu.memory_space<vmem>> -> memref<128x128xf32, #tpu.memory_space<vmem>>
    %dma_wait3A_156 = arith.constant 0 : i32
    %dma_wait3A_157 = tpu.memref_slice %arg8[%dma_wait3A_150, %dma_wait3A_156] : memref<4x128xi32, #tpu.memory_space<vmem>> -> memref<1x128xi32, #tpu.memory_space<vmem>>
    %dma_wait3A_158 = tpu.memref_squeeze %dma_wait3A_157 : memref<1x128xi32, #tpu.memory_space<vmem>> -> memref<128xi32, #tpu.memory_space<vmem>>
    %dma_wait3A_159 = arith.constant 0 : i32
    %dma_wait3A_160 = arith.constant 0 : i32
    %dma_wait3A_161 = tpu.memref_slice %arg2[%dma_wait3A_159, %dma_wait3A_160] : memref<640x128xf32, #tpu.memory_space<hbm>> -> memref<640x128xf32, #tpu.memory_space<hbm>>
    tpu.wait_indirect_dma semaphore(%arg11 : memref<!tpu.dma_semaphore, #tpu.memory_space<semaphore_mem>>) src(%dma_wait3A_161 : memref<640x128xf32, #tpu.memory_space<hbm>>) dst(%dma_wait3A_155 : memref<128x128xf32, #tpu.memory_space<vmem>>)
    %run_scoped3A_162 = arith.constant 1 : i32
    "tpu.region"() ({
      %run_scoped3A_280 = tpu.sem_alloc : memref<!tpu.dma_semaphore, #tpu.memory_space<semaphore_mem>>
      %dma_start3A_281 = arith.constant 0 : i32
      %dma_start3A_282 = arith.constant 0 : i32
      %dma_start3A_283 = tpu.memref_slice %arg6[%run_scoped3A_162, %dma_start3A_281, %dma_start3A_282] : memref<2x128x128xf32, #tpu.memory_space<vmem>> -> memref<1x128x128xf32, #tpu.memory_space<vmem>>
      %dma_start3A_284 = tpu.memref_squeeze %dma_start3A_283 : memref<1x128x128xf32, #tpu.memory_space<vmem>> -> memref<128x128xf32, #tpu.memory_space<vmem>>
      %dma_start3A_285 = arith.constant 0 : i32
      %dma_start3A_286 = tpu.memref_slice %arg5[%select_n3A_40, %add3A_149, %dma_start3A_285] : memref<8x2048x256xf32, #tpu.memory_space<hbm>> -> memref<1x128x256xf32, #tpu.memory_space<hbm>>
      %dma_start3A_287 = tpu.memref_squeeze %dma_start3A_286 : memref<1x128x256xf32, #tpu.memory_space<hbm>> -> memref<128x256xf32, #tpu.memory_space<hbm>>
      %dma_start3A_288 = arith.constant 0 : i32
      %dma_start3A_289 = arith.constant 0 : i32
      %dma_start3A_290 = tpu.memref_slice %dma_start3A_287[%dma_start3A_288, %dma_start3A_289] : memref<128x256xf32, #tpu.memory_space<hbm>> -> memref<128x128xf32, #tpu.memory_space<hbm>>
      %dma_start3A_291 = arith.constant 0 : i32
      %dma_start3A_292 = tpu.memref_slice %arg5[%select_n3A_40, %add3A_149, %dma_start3A_291] : memref<8x2048x256xf32, #tpu.memory_space<hbm>> -> memref<1x128x256xf32, #tpu.memory_space<hbm>>
      %dma_start3A_293 = tpu.memref_squeeze %dma_start3A_292 : memref<1x128x256xf32, #tpu.memory_space<hbm>> -> memref<128x256xf32, #tpu.memory_space<hbm>>
      %dma_start3A_294 = arith.constant 0 : i32
      %dma_start3A_295 = arith.constant 0 : i32
      %dma_start3A_296 = tpu.memref_slice %dma_start3A_293[%dma_start3A_294, %dma_start3A_295] : memref<128x256xf32, #tpu.memory_space<hbm>> -> memref<128x128xf32, #tpu.memory_space<hbm>>
      %dma_start3A_297 = arith.constant 0 : i32
      %dma_start3A_298 = arith.constant 0 : i32
      %dma_start3A_299 = tpu.memref_slice %arg6[%run_scoped3A_162, %dma_start3A_297, %dma_start3A_298] : memref<2x128x128xf32, #tpu.memory_space<vmem>> -> memref<1x128x128xf32, #tpu.memory_space<vmem>>
      %dma_start3A_300 = tpu.memref_squeeze %dma_start3A_299 : memref<1x128x128xf32, #tpu.memory_space<vmem>> -> memref<128x128xf32, #tpu.memory_space<vmem>>
      tpu.enqueue_dma source(%dma_start3A_300 : memref<128x128xf32, #tpu.memory_space<vmem>>) target(%dma_start3A_296 : memref<128x128xf32, #tpu.memory_space<hbm>>) target_semaphore(%run_scoped3A_280 : memref<!tpu.dma_semaphore, #tpu.memory_space<semaphore_mem>>)
      %dma_wait3A_301 = arith.constant 0 : i32
      %dma_wait3A_302 = arith.constant 0 : i32
      %dma_wait3A_303 = tpu.memref_slice %arg6[%run_scoped3A_162, %dma_wait3A_301, %dma_wait3A_302] : memref<2x128x128xf32, #tpu.memory_space<vmem>> -> memref<1x128x128xf32, #tpu.memory_space<vmem>>
      %dma_wait3A_304 = tpu.memref_squeeze %dma_wait3A_303 : memref<1x128x128xf32, #tpu.memory_space<vmem>> -> memref<128x128xf32, #tpu.memory_space<vmem>>
      %dma_wait3A_305 = arith.constant 0 : i32
      %dma_wait3A_306 = tpu.memref_slice %arg5[%select_n3A_40, %add3A_149, %dma_wait3A_305] : memref<8x2048x256xf32, #tpu.memory_space<hbm>> -> memref<1x128x256xf32, #tpu.memory_space<hbm>>
      %dma_wait3A_307 = tpu.memref_squeeze %dma_wait3A_306 : memref<1x128x256xf32, #tpu.memory_space<hbm>> -> memref<128x256xf32, #tpu.memory_space<hbm>>
      %dma_wait3A_308 = arith.constant 0 : i32
      %dma_wait3A_309 = arith.constant 0 : i32
      %dma_wait3A_310 = tpu.memref_slice %dma_wait3A_307[%dma_wait3A_308, %dma_wait3A_309] : memref<128x256xf32, #tpu.memory_space<hbm>> -> memref<128x128xf32, #tpu.memory_space<hbm>>
      %dma_wait3A_311 = arith.constant 0 : i32
      %dma_wait3A_312 = tpu.memref_slice %arg5[%select_n3A_40, %add3A_149, %dma_wait3A_311] : memref<8x2048x256xf32, #tpu.memory_space<hbm>> -> memref<1x128x256xf32, #tpu.memory_space<hbm>>
      %dma_wait3A_313 = tpu.memref_squeeze %dma_wait3A_312 : memref<1x128x256xf32, #tpu.memory_space<hbm>> -> memref<128x256xf32, #tpu.memory_space<hbm>>
      %dma_wait3A_314 = arith.constant 0 : i32
      %dma_wait3A_315 = arith.constant 0 : i32
      %dma_wait3A_316 = tpu.memref_slice %dma_wait3A_313[%dma_wait3A_314, %dma_wait3A_315] : memref<128x256xf32, #tpu.memory_space<hbm>> -> memref<128x128xf32, #tpu.memory_space<hbm>>
      %dma_wait3A_317 = arith.constant 0 : i32
      %dma_wait3A_318 = arith.constant 0 : i32
      %dma_wait3A_319 = tpu.memref_slice %arg6[%run_scoped3A_162, %dma_wait3A_317, %dma_wait3A_318] : memref<2x128x128xf32, #tpu.memory_space<vmem>> -> memref<1x128x128xf32, #tpu.memory_space<vmem>>
      %dma_wait3A_320 = tpu.memref_squeeze %dma_wait3A_319 : memref<1x128x128xf32, #tpu.memory_space<vmem>> -> memref<128x128xf32, #tpu.memory_space<vmem>>
      tpu.wait_dma2 semaphore(%run_scoped3A_280 : memref<!tpu.dma_semaphore, #tpu.memory_space<semaphore_mem>>) src(%dma_wait3A_320 : memref<128x128xf32, #tpu.memory_space<vmem>>) dst(%dma_wait3A_316 : memref<128x128xf32, #tpu.memory_space<hbm>>)
      tpu.yield
    }) : () -> ()
    %dma_wait3A_163 = arith.constant 1 : i32
    %dma_wait3A_164 = arith.constant 1 : i32
    %dma_wait3A_165 = arith.constant 0 : i32
    %dma_wait3A_166 = arith.constant 0 : i32
    %dma_wait3A_167 = tpu.memref_slice %arg7[%dma_wait3A_164, %dma_wait3A_165, %dma_wait3A_166] : memref<2x128x128xf32, #tpu.memory_space<vmem>> -> memref<1x128x128xf32, #tpu.memory_space<vmem>>
    %dma_wait3A_168 = tpu.memref_squeeze %dma_wait3A_167 : memref<1x128x128xf32, #tpu.memory_space<vmem>> -> memref<128x128xf32, #tpu.memory_space<vmem>>
    %dma_wait3A_169 = arith.constant 0 : i32
    %dma_wait3A_170 = tpu.memref_slice %arg9[%dma_wait3A_163, %dma_wait3A_169] : memref<4x128xi32, #tpu.memory_space<vmem>> -> memref<1x128xi32, #tpu.memory_space<vmem>>
    %dma_wait3A_171 = tpu.memref_squeeze %dma_wait3A_170 : memref<1x128xi32, #tpu.memory_space<vmem>> -> memref<128xi32, #tpu.memory_space<vmem>>
    %dma_wait3A_172 = arith.constant 0 : i32
    %dma_wait3A_173 = arith.constant 0 : i32
    %dma_wait3A_174 = tpu.memref_slice %arg2[%dma_wait3A_172, %dma_wait3A_173] : memref<640x128xf32, #tpu.memory_space<hbm>> -> memref<640x128xf32, #tpu.memory_space<hbm>>
    tpu.wait_indirect_dma semaphore(%arg13 : memref<!tpu.dma_semaphore, #tpu.memory_space<semaphore_mem>>) src(%dma_wait3A_174 : memref<640x128xf32, #tpu.memory_space<hbm>>) dst(%dma_wait3A_168 : memref<128x128xf32, #tpu.memory_space<vmem>>)
    %run_scoped3A_175 = arith.constant 1 : i32
    "tpu.region"() ({
      %run_scoped3A_280 = tpu.sem_alloc : memref<!tpu.dma_semaphore, #tpu.memory_space<semaphore_mem>>
      %dma_start3A_281 = arith.constant 0 : i32
      %dma_start3A_282 = arith.constant 0 : i32
      %dma_start3A_283 = tpu.memref_slice %arg7[%run_scoped3A_175, %dma_start3A_281, %dma_start3A_282] : memref<2x128x128xf32, #tpu.memory_space<vmem>> -> memref<1x128x128xf32, #tpu.memory_space<vmem>>
      %dma_start3A_284 = tpu.memref_squeeze %dma_start3A_283 : memref<1x128x128xf32, #tpu.memory_space<vmem>> -> memref<128x128xf32, #tpu.memory_space<vmem>>
      %dma_start3A_285 = arith.constant 0 : i32
      %dma_start3A_286 = tpu.memref_slice %arg5[%select_n3A_40, %add3A_149, %dma_start3A_285] : memref<8x2048x256xf32, #tpu.memory_space<hbm>> -> memref<1x128x256xf32, #tpu.memory_space<hbm>>
      %dma_start3A_287 = tpu.memref_squeeze %dma_start3A_286 : memref<1x128x256xf32, #tpu.memory_space<hbm>> -> memref<128x256xf32, #tpu.memory_space<hbm>>
      %dma_start3A_288 = arith.constant 0 : i32
      %dma_start3A_289 = arith.constant 128 : i32
      %dma_start3A_290 = tpu.memref_slice %dma_start3A_287[%dma_start3A_288, %dma_start3A_289] : memref<128x256xf32, #tpu.memory_space<hbm>> -> memref<128x128xf32, #tpu.memory_space<hbm>>
      %dma_start3A_291 = arith.constant 0 : i32
      %dma_start3A_292 = tpu.memref_slice %arg5[%select_n3A_40, %add3A_149, %dma_start3A_291] : memref<8x2048x256xf32, #tpu.memory_space<hbm>> -> memref<1x128x256xf32, #tpu.memory_space<hbm>>
      %dma_start3A_293 = tpu.memref_squeeze %dma_start3A_292 : memref<1x128x256xf32, #tpu.memory_space<hbm>> -> memref<128x256xf32, #tpu.memory_space<hbm>>
      %dma_start3A_294 = arith.constant 0 : i32
      %dma_start3A_295 = arith.constant 128 : i32
      %dma_start3A_296 = tpu.memref_slice %dma_start3A_293[%dma_start3A_294, %dma_start3A_295] : memref<128x256xf32, #tpu.memory_space<hbm>> -> memref<128x128xf32, #tpu.memory_space<hbm>>
      %dma_start3A_297 = arith.constant 0 : i32
      %dma_start3A_298 = arith.constant 0 : i32
      %dma_start3A_299 = tpu.memref_slice %arg7[%run_scoped3A_175, %dma_start3A_297, %dma_start3A_298] : memref<2x128x128xf32, #tpu.memory_space<vmem>> -> memref<1x128x128xf32, #tpu.memory_space<vmem>>
      %dma_start3A_300 = tpu.memref_squeeze %dma_start3A_299 : memref<1x128x128xf32, #tpu.memory_space<vmem>> -> memref<128x128xf32, #tpu.memory_space<vmem>>
      tpu.enqueue_dma source(%dma_start3A_300 : memref<128x128xf32, #tpu.memory_space<vmem>>) target(%dma_start3A_296 : memref<128x128xf32, #tpu.memory_space<hbm>>) target_semaphore(%run_scoped3A_280 : memref<!tpu.dma_semaphore, #tpu.memory_space<semaphore_mem>>)
      %dma_wait3A_301 = arith.constant 0 : i32
      %dma_wait3A_302 = arith.constant 0 : i32
      %dma_wait3A_303 = tpu.memref_slice %arg7[%run_scoped3A_175, %dma_wait3A_301, %dma_wait3A_302] : memref<2x128x128xf32, #tpu.memory_space<vmem>> -> memref<1x128x128xf32, #tpu.memory_space<vmem>>
      %dma_wait3A_304 = tpu.memref_squeeze %dma_wait3A_303 : memref<1x128x128xf32, #tpu.memory_space<vmem>> -> memref<128x128xf32, #tpu.memory_space<vmem>>
      %dma_wait3A_305 = arith.constant 0 : i32
      %dma_wait3A_306 = tpu.memref_slice %arg5[%select_n3A_40, %add3A_149, %dma_wait3A_305] : memref<8x2048x256xf32, #tpu.memory_space<hbm>> -> memref<1x128x256xf32, #tpu.memory_space<hbm>>
      %dma_wait3A_307 = tpu.memref_squeeze %dma_wait3A_306 : memref<1x128x256xf32, #tpu.memory_space<hbm>> -> memref<128x256xf32, #tpu.memory_space<hbm>>
      %dma_wait3A_308 = arith.constant 0 : i32
      %dma_wait3A_309 = arith.constant 128 : i32
      %dma_wait3A_310 = tpu.memref_slice %dma_wait3A_307[%dma_wait3A_308, %dma_wait3A_309] : memref<128x256xf32, #tpu.memory_space<hbm>> -> memref<128x128xf32, #tpu.memory_space<hbm>>
      %dma_wait3A_311 = arith.constant 0 : i32
      %dma_wait3A_312 = tpu.memref_slice %arg5[%select_n3A_40, %add3A_149, %dma_wait3A_311] : memref<8x2048x256xf32, #tpu.memory_space<hbm>> -> memref<1x128x256xf32, #tpu.memory_space<hbm>>
      %dma_wait3A_313 = tpu.memref_squeeze %dma_wait3A_312 : memref<1x128x256xf32, #tpu.memory_space<hbm>> -> memref<128x256xf32, #tpu.memory_space<hbm>>
      %dma_wait3A_314 = arith.constant 0 : i32
      %dma_wait3A_315 = arith.constant 128 : i32
      %dma_wait3A_316 = tpu.memref_slice %dma_wait3A_313[%dma_wait3A_314, %dma_wait3A_315] : memref<128x256xf32, #tpu.memory_space<hbm>> -> memref<128x128xf32, #tpu.memory_space<hbm>>
      %dma_wait3A_317 = arith.constant 0 : i32
      %dma_wait3A_318 = arith.constant 0 : i32
      %dma_wait3A_319 = tpu.memref_slice %arg7[%run_scoped3A_175, %dma_wait3A_317, %dma_wait3A_318] : memref<2x128x128xf32, #tpu.memory_space<vmem>> -> memref<1x128x128xf32, #tpu.memory_space<vmem>>
      %dma_wait3A_320 = tpu.memref_squeeze %dma_wait3A_319 : memref<1x128x128xf32, #tpu.memory_space<vmem>> -> memref<128x128xf32, #tpu.memory_space<vmem>>
      tpu.wait_dma2 semaphore(%run_scoped3A_280 : memref<!tpu.dma_semaphore, #tpu.memory_space<semaphore_mem>>) src(%dma_wait3A_320 : memref<128x128xf32, #tpu.memory_space<vmem>>) dst(%dma_wait3A_316 : memref<128x128xf32, #tpu.memory_space<hbm>>)
      tpu.yield
    }) : () -> ()
    %dma_start3A_176 = arith.constant 2 : i32
    %dma_start3A_177 = arith.constant 0 : i32
    %dma_start3A_178 = arith.constant 0 : i32
    %dma_start3A_179 = arith.constant 0 : i32
    %dma_start3A_180 = tpu.memref_slice %arg6[%dma_start3A_177, %dma_start3A_178, %dma_start3A_179] : memref<2x128x128xf32, #tpu.memory_space<vmem>> -> memref<1x128x128xf32, #tpu.memory_space<vmem>>
    %dma_start3A_181 = tpu.memref_squeeze %dma_start3A_180 : memref<1x128x128xf32, #tpu.memory_space<vmem>> -> memref<128x128xf32, #tpu.memory_space<vmem>>
    %dma_start3A_182 = arith.constant 0 : i32
    %dma_start3A_183 = tpu.memref_slice %arg8[%dma_start3A_176, %dma_start3A_182] : memref<4x128xi32, #tpu.memory_space<vmem>> -> memref<1x128xi32, #tpu.memory_space<vmem>>
    %dma_start3A_184 = tpu.memref_squeeze %dma_start3A_183 : memref<1x128xi32, #tpu.memory_space<vmem>> -> memref<128xi32, #tpu.memory_space<vmem>>
    %dma_start3A_185 = arith.constant 0 : i32
    %dma_start3A_186 = arith.constant 0 : i32
    %dma_start3A_187 = tpu.memref_slice %arg2[%dma_start3A_185, %dma_start3A_186] : memref<640x128xf32, #tpu.memory_space<hbm>> -> memref<640x128xf32, #tpu.memory_space<hbm>>
    tpu.enqueue_indirect_dma source(%dma_start3A_187 : memref<640x128xf32, #tpu.memory_space<hbm>>) target(%dma_start3A_181 : memref<128x128xf32, #tpu.memory_space<vmem>>) offsets(%dma_start3A_184 : memref<128xi32, #tpu.memory_space<vmem>>) semaphore(%arg10 : memref<!tpu.dma_semaphore, #tpu.memory_space<semaphore_mem>>)
    %dma_start3A_188 = arith.constant 2 : i32
    %dma_start3A_189 = arith.constant 0 : i32
    %dma_start3A_190 = arith.constant 0 : i32
    %dma_start3A_191 = arith.constant 0 : i32
    %dma_start3A_192 = tpu.memref_slice %arg7[%dma_start3A_189, %dma_start3A_190, %dma_start3A_191] : memref<2x128x128xf32, #tpu.memory_space<vmem>> -> memref<1x128x128xf32, #tpu.memory_space<vmem>>
    %dma_start3A_193 = tpu.memref_squeeze %dma_start3A_192 : memref<1x128x128xf32, #tpu.memory_space<vmem>> -> memref<128x128xf32, #tpu.memory_space<vmem>>
    %dma_start3A_194 = arith.constant 0 : i32
    %dma_start3A_195 = tpu.memref_slice %arg9[%dma_start3A_188, %dma_start3A_194] : memref<4x128xi32, #tpu.memory_space<vmem>> -> memref<1x128xi32, #tpu.memory_space<vmem>>
    %dma_start3A_196 = tpu.memref_squeeze %dma_start3A_195 : memref<1x128xi32, #tpu.memory_space<vmem>> -> memref<128xi32, #tpu.memory_space<vmem>>
    %dma_start3A_197 = arith.constant 0 : i32
    %dma_start3A_198 = arith.constant 0 : i32
    %dma_start3A_199 = tpu.memref_slice %arg2[%dma_start3A_197, %dma_start3A_198] : memref<640x128xf32, #tpu.memory_space<hbm>> -> memref<640x128xf32, #tpu.memory_space<hbm>>
    tpu.enqueue_indirect_dma source(%dma_start3A_199 : memref<640x128xf32, #tpu.memory_space<hbm>>) target(%dma_start3A_193 : memref<128x128xf32, #tpu.memory_space<vmem>>) offsets(%dma_start3A_196 : memref<128xi32, #tpu.memory_space<vmem>>) semaphore(%arg12 : memref<!tpu.dma_semaphore, #tpu.memory_space<semaphore_mem>>)
    %add3A_200 = arith.constant 256 : i32
    %add3A_201 = arith.addi %mul3A_56, %add3A_200 : i32
    %dma_wait3A_202 = arith.constant 2 : i32
    %dma_wait3A_203 = arith.constant 0 : i32
    %dma_wait3A_204 = arith.constant 0 : i32
    %dma_wait3A_205 = arith.constant 0 : i32
    %dma_wait3A_206 = tpu.memref_slice %arg6[%dma_wait3A_203, %dma_wait3A_204, %dma_wait3A_205] : memref<2x128x128xf32, #tpu.memory_space<vmem>> -> memref<1x128x128xf32, #tpu.memory_space<vmem>>
    %dma_wait3A_207 = tpu.memref_squeeze %dma_wait3A_206 : memref<1x128x128xf32, #tpu.memory_space<vmem>> -> memref<128x128xf32, #tpu.memory_space<vmem>>
    %dma_wait3A_208 = arith.constant 0 : i32
    %dma_wait3A_209 = tpu.memref_slice %arg8[%dma_wait3A_202, %dma_wait3A_208] : memref<4x128xi32, #tpu.memory_space<vmem>> -> memref<1x128xi32, #tpu.memory_space<vmem>>
    %dma_wait3A_210 = tpu.memref_squeeze %dma_wait3A_209 : memref<1x128xi32, #tpu.memory_space<vmem>> -> memref<128xi32, #tpu.memory_space<vmem>>
    %dma_wait3A_211 = arith.constant 0 : i32
    %dma_wait3A_212 = arith.constant 0 : i32
    %dma_wait3A_213 = tpu.memref_slice %arg2[%dma_wait3A_211, %dma_wait3A_212] : memref<640x128xf32, #tpu.memory_space<hbm>> -> memref<640x128xf32, #tpu.memory_space<hbm>>
    tpu.wait_indirect_dma semaphore(%arg10 : memref<!tpu.dma_semaphore, #tpu.memory_space<semaphore_mem>>) src(%dma_wait3A_213 : memref<640x128xf32, #tpu.memory_space<hbm>>) dst(%dma_wait3A_207 : memref<128x128xf32, #tpu.memory_space<vmem>>)
    %run_scoped3A_214 = arith.constant 0 : i32
    "tpu.region"() ({
      %run_scoped3A_280 = tpu.sem_alloc : memref<!tpu.dma_semaphore, #tpu.memory_space<semaphore_mem>>
      %dma_start3A_281 = arith.constant 0 : i32
      %dma_start3A_282 = arith.constant 0 : i32
      %dma_start3A_283 = tpu.memref_slice %arg6[%run_scoped3A_214, %dma_start3A_281, %dma_start3A_282] : memref<2x128x128xf32, #tpu.memory_space<vmem>> -> memref<1x128x128xf32, #tpu.memory_space<vmem>>
      %dma_start3A_284 = tpu.memref_squeeze %dma_start3A_283 : memref<1x128x128xf32, #tpu.memory_space<vmem>> -> memref<128x128xf32, #tpu.memory_space<vmem>>
      %dma_start3A_285 = arith.constant 0 : i32
      %dma_start3A_286 = tpu.memref_slice %arg5[%select_n3A_40, %add3A_201, %dma_start3A_285] : memref<8x2048x256xf32, #tpu.memory_space<hbm>> -> memref<1x128x256xf32, #tpu.memory_space<hbm>>
      %dma_start3A_287 = tpu.memref_squeeze %dma_start3A_286 : memref<1x128x256xf32, #tpu.memory_space<hbm>> -> memref<128x256xf32, #tpu.memory_space<hbm>>
      %dma_start3A_288 = arith.constant 0 : i32
      %dma_start3A_289 = arith.constant 0 : i32
      %dma_start3A_290 = tpu.memref_slice %dma_start3A_287[%dma_start3A_288, %dma_start3A_289] : memref<128x256xf32, #tpu.memory_space<hbm>> -> memref<128x128xf32, #tpu.memory_space<hbm>>
      %dma_start3A_291 = arith.constant 0 : i32
      %dma_start3A_292 = tpu.memref_slice %arg5[%select_n3A_40, %add3A_201, %dma_start3A_291] : memref<8x2048x256xf32, #tpu.memory_space<hbm>> -> memref<1x128x256xf32, #tpu.memory_space<hbm>>
      %dma_start3A_293 = tpu.memref_squeeze %dma_start3A_292 : memref<1x128x256xf32, #tpu.memory_space<hbm>> -> memref<128x256xf32, #tpu.memory_space<hbm>>
      %dma_start3A_294 = arith.constant 0 : i32
      %dma_start3A_295 = arith.constant 0 : i32
      %dma_start3A_296 = tpu.memref_slice %dma_start3A_293[%dma_start3A_294, %dma_start3A_295] : memref<128x256xf32, #tpu.memory_space<hbm>> -> memref<128x128xf32, #tpu.memory_space<hbm>>
      %dma_start3A_297 = arith.constant 0 : i32
      %dma_start3A_298 = arith.constant 0 : i32
      %dma_start3A_299 = tpu.memref_slice %arg6[%run_scoped3A_214, %dma_start3A_297, %dma_start3A_298] : memref<2x128x128xf32, #tpu.memory_space<vmem>> -> memref<1x128x128xf32, #tpu.memory_space<vmem>>
      %dma_start3A_300 = tpu.memref_squeeze %dma_start3A_299 : memref<1x128x128xf32, #tpu.memory_space<vmem>> -> memref<128x128xf32, #tpu.memory_space<vmem>>
      tpu.enqueue_dma source(%dma_start3A_300 : memref<128x128xf32, #tpu.memory_space<vmem>>) target(%dma_start3A_296 : memref<128x128xf32, #tpu.memory_space<hbm>>) target_semaphore(%run_scoped3A_280 : memref<!tpu.dma_semaphore, #tpu.memory_space<semaphore_mem>>)
      %dma_wait3A_301 = arith.constant 0 : i32
      %dma_wait3A_302 = arith.constant 0 : i32
      %dma_wait3A_303 = tpu.memref_slice %arg6[%run_scoped3A_214, %dma_wait3A_301, %dma_wait3A_302] : memref<2x128x128xf32, #tpu.memory_space<vmem>> -> memref<1x128x128xf32, #tpu.memory_space<vmem>>
      %dma_wait3A_304 = tpu.memref_squeeze %dma_wait3A_303 : memref<1x128x128xf32, #tpu.memory_space<vmem>> -> memref<128x128xf32, #tpu.memory_space<vmem>>
      %dma_wait3A_305 = arith.constant 0 : i32
      %dma_wait3A_306 = tpu.memref_slice %arg5[%select_n3A_40, %add3A_201, %dma_wait3A_305] : memref<8x2048x256xf32, #tpu.memory_space<hbm>> -> memref<1x128x256xf32, #tpu.memory_space<hbm>>
      %dma_wait3A_307 = tpu.memref_squeeze %dma_wait3A_306 : memref<1x128x256xf32, #tpu.memory_space<hbm>> -> memref<128x256xf32, #tpu.memory_space<hbm>>
      %dma_wait3A_308 = arith.constant 0 : i32
      %dma_wait3A_309 = arith.constant 0 : i32
      %dma_wait3A_310 = tpu.memref_slice %dma_wait3A_307[%dma_wait3A_308, %dma_wait3A_309] : memref<128x256xf32, #tpu.memory_space<hbm>> -> memref<128x128xf32, #tpu.memory_space<hbm>>
      %dma_wait3A_311 = arith.constant 0 : i32
      %dma_wait3A_312 = tpu.memref_slice %arg5[%select_n3A_40, %add3A_201, %dma_wait3A_311] : memref<8x2048x256xf32, #tpu.memory_space<hbm>> -> memref<1x128x256xf32, #tpu.memory_space<hbm>>
      %dma_wait3A_313 = tpu.memref_squeeze %dma_wait3A_312 : memref<1x128x256xf32, #tpu.memory_space<hbm>> -> memref<128x256xf32, #tpu.memory_space<hbm>>
      %dma_wait3A_314 = arith.constant 0 : i32
      %dma_wait3A_315 = arith.constant 0 : i32
      %dma_wait3A_316 = tpu.memref_slice %dma_wait3A_313[%dma_wait3A_314, %dma_wait3A_315] : memref<128x256xf32, #tpu.memory_space<hbm>> -> memref<128x128xf32, #tpu.memory_space<hbm>>
      %dma_wait3A_317 = arith.constant 0 : i32
      %dma_wait3A_318 = arith.constant 0 : i32
      %dma_wait3A_319 = tpu.memref_slice %arg6[%run_scoped3A_214, %dma_wait3A_317, %dma_wait3A_318] : memref<2x128x128xf32, #tpu.memory_space<vmem>> -> memref<1x128x128xf32, #tpu.memory_space<vmem>>
      %dma_wait3A_320 = tpu.memref_squeeze %dma_wait3A_319 : memref<1x128x128xf32, #tpu.memory_space<vmem>> -> memref<128x128xf32, #tpu.memory_space<vmem>>
      tpu.wait_dma2 semaphore(%run_scoped3A_280 : memref<!tpu.dma_semaphore, #tpu.memory_space<semaphore_mem>>) src(%dma_wait3A_320 : memref<128x128xf32, #tpu.memory_space<vmem>>) dst(%dma_wait3A_316 : memref<128x128xf32, #tpu.memory_space<hbm>>)
      tpu.yield
    }) : () -> ()
    %dma_wait3A_215 = arith.constant 2 : i32
    %dma_wait3A_216 = arith.constant 0 : i32
    %dma_wait3A_217 = arith.constant 0 : i32
    %dma_wait3A_218 = arith.constant 0 : i32
    %dma_wait3A_219 = tpu.memref_slice %arg7[%dma_wait3A_216, %dma_wait3A_217, %dma_wait3A_218] : memref<2x128x128xf32, #tpu.memory_space<vmem>> -> memref<1x128x128xf32, #tpu.memory_space<vmem>>
    %dma_wait3A_220 = tpu.memref_squeeze %dma_wait3A_219 : memref<1x128x128xf32, #tpu.memory_space<vmem>> -> memref<128x128xf32, #tpu.memory_space<vmem>>
    %dma_wait3A_221 = arith.constant 0 : i32
    %dma_wait3A_222 = tpu.memref_slice %arg9[%dma_wait3A_215, %dma_wait3A_221] : memref<4x128xi32, #tpu.memory_space<vmem>> -> memref<1x128xi32, #tpu.memory_space<vmem>>
    %dma_wait3A_223 = tpu.memref_squeeze %dma_wait3A_222 : memref<1x128xi32, #tpu.memory_space<vmem>> -> memref<128xi32, #tpu.memory_space<vmem>>
    %dma_wait3A_224 = arith.constant 0 : i32
    %dma_wait3A_225 = arith.constant 0 : i32
    %dma_wait3A_226 = tpu.memref_slice %arg2[%dma_wait3A_224, %dma_wait3A_225] : memref<640x128xf32, #tpu.memory_space<hbm>> -> memref<640x128xf32, #tpu.memory_space<hbm>>
    tpu.wait_indirect_dma semaphore(%arg12 : memref<!tpu.dma_semaphore, #tpu.memory_space<semaphore_mem>>) src(%dma_wait3A_226 : memref<640x128xf32, #tpu.memory_space<hbm>>) dst(%dma_wait3A_220 : memref<128x128xf32, #tpu.memory_space<vmem>>)
    %run_scoped3A_227 = arith.constant 0 : i32
    "tpu.region"() ({
      %run_scoped3A_280 = tpu.sem_alloc : memref<!tpu.dma_semaphore, #tpu.memory_space<semaphore_mem>>
      %dma_start3A_281 = arith.constant 0 : i32
      %dma_start3A_282 = arith.constant 0 : i32
      %dma_start3A_283 = tpu.memref_slice %arg7[%run_scoped3A_227, %dma_start3A_281, %dma_start3A_282] : memref<2x128x128xf32, #tpu.memory_space<vmem>> -> memref<1x128x128xf32, #tpu.memory_space<vmem>>
      %dma_start3A_284 = tpu.memref_squeeze %dma_start3A_283 : memref<1x128x128xf32, #tpu.memory_space<vmem>> -> memref<128x128xf32, #tpu.memory_space<vmem>>
      %dma_start3A_285 = arith.constant 0 : i32
      %dma_start3A_286 = tpu.memref_slice %arg5[%select_n3A_40, %add3A_201, %dma_start3A_285] : memref<8x2048x256xf32, #tpu.memory_space<hbm>> -> memref<1x128x256xf32, #tpu.memory_space<hbm>>
      %dma_start3A_287 = tpu.memref_squeeze %dma_start3A_286 : memref<1x128x256xf32, #tpu.memory_space<hbm>> -> memref<128x256xf32, #tpu.memory_space<hbm>>
      %dma_start3A_288 = arith.constant 0 : i32
      %dma_start3A_289 = arith.constant 128 : i32
      %dma_start3A_290 = tpu.memref_slice %dma_start3A_287[%dma_start3A_288, %dma_start3A_289] : memref<128x256xf32, #tpu.memory_space<hbm>> -> memref<128x128xf32, #tpu.memory_space<hbm>>
      %dma_start3A_291 = arith.constant 0 : i32
      %dma_start3A_292 = tpu.memref_slice %arg5[%select_n3A_40, %add3A_201, %dma_start3A_291] : memref<8x2048x256xf32, #tpu.memory_space<hbm>> -> memref<1x128x256xf32, #tpu.memory_space<hbm>>
      %dma_start3A_293 = tpu.memref_squeeze %dma_start3A_292 : memref<1x128x256xf32, #tpu.memory_space<hbm>> -> memref<128x256xf32, #tpu.memory_space<hbm>>
      %dma_start3A_294 = arith.constant 0 : i32
      %dma_start3A_295 = arith.constant 128 : i32
      %dma_start3A_296 = tpu.memref_slice %dma_start3A_293[%dma_start3A_294, %dma_start3A_295] : memref<128x256xf32, #tpu.memory_space<hbm>> -> memref<128x128xf32, #tpu.memory_space<hbm>>
      %dma_start3A_297 = arith.constant 0 : i32
      %dma_start3A_298 = arith.constant 0 : i32
      %dma_start3A_299 = tpu.memref_slice %arg7[%run_scoped3A_227, %dma_start3A_297, %dma_start3A_298] : memref<2x128x128xf32, #tpu.memory_space<vmem>> -> memref<1x128x128xf32, #tpu.memory_space<vmem>>
      %dma_start3A_300 = tpu.memref_squeeze %dma_start3A_299 : memref<1x128x128xf32, #tpu.memory_space<vmem>> -> memref<128x128xf32, #tpu.memory_space<vmem>>
      tpu.enqueue_dma source(%dma_start3A_300 : memref<128x128xf32, #tpu.memory_space<vmem>>) target(%dma_start3A_296 : memref<128x128xf32, #tpu.memory_space<hbm>>) target_semaphore(%run_scoped3A_280 : memref<!tpu.dma_semaphore, #tpu.memory_space<semaphore_mem>>)
      %dma_wait3A_301 = arith.constant 0 : i32
      %dma_wait3A_302 = arith.constant 0 : i32
      %dma_wait3A_303 = tpu.memref_slice %arg7[%run_scoped3A_227, %dma_wait3A_301, %dma_wait3A_302] : memref<2x128x128xf32, #tpu.memory_space<vmem>> -> memref<1x128x128xf32, #tpu.memory_space<vmem>>
      %dma_wait3A_304 = tpu.memref_squeeze %dma_wait3A_303 : memref<1x128x128xf32, #tpu.memory_space<vmem>> -> memref<128x128xf32, #tpu.memory_space<vmem>>
      %dma_wait3A_305 = arith.constant 0 : i32
      %dma_wait3A_306 = tpu.memref_slice %arg5[%select_n3A_40, %add3A_201, %dma_wait3A_305] : memref<8x2048x256xf32, #tpu.memory_space<hbm>> -> memref<1x128x256xf32, #tpu.memory_space<hbm>>
      %dma_wait3A_307 = tpu.memref_squeeze %dma_wait3A_306 : memref<1x128x256xf32, #tpu.memory_space<hbm>> -> memref<128x256xf32, #tpu.memory_space<hbm>>
      %dma_wait3A_308 = arith.constant 0 : i32
      %dma_wait3A_309 = arith.constant 128 : i32
      %dma_wait3A_310 = tpu.memref_slice %dma_wait3A_307[%dma_wait3A_308, %dma_wait3A_309] : memref<128x256xf32, #tpu.memory_space<hbm>> -> memref<128x128xf32, #tpu.memory_space<hbm>>
      %dma_wait3A_311 = arith.constant 0 : i32
      %dma_wait3A_312 = tpu.memref_slice %arg5[%select_n3A_40, %add3A_201, %dma_wait3A_311] : memref<8x2048x256xf32, #tpu.memory_space<hbm>> -> memref<1x128x256xf32, #tpu.memory_space<hbm>>
      %dma_wait3A_313 = tpu.memref_squeeze %dma_wait3A_312 : memref<1x128x256xf32, #tpu.memory_space<hbm>> -> memref<128x256xf32, #tpu.memory_space<hbm>>
      %dma_wait3A_314 = arith.constant 0 : i32
      %dma_wait3A_315 = arith.constant 128 : i32
      %dma_wait3A_316 = tpu.memref_slice %dma_wait3A_313[%dma_wait3A_314, %dma_wait3A_315] : memref<128x256xf32, #tpu.memory_space<hbm>> -> memref<128x128xf32, #tpu.memory_space<hbm>>
      %dma_wait3A_317 = arith.constant 0 : i32
      %dma_wait3A_318 = arith.constant 0 : i32
      %dma_wait3A_319 = tpu.memref_slice %arg7[%run_scoped3A_227, %dma_wait3A_317, %dma_wait3A_318] : memref<2x128x128xf32, #tpu.memory_space<vmem>> -> memref<1x128x128xf32, #tpu.memory_space<vmem>>
      %dma_wait3A_320 = tpu.memref_squeeze %dma_wait3A_319 : memref<1x128x128xf32, #tpu.memory_space<vmem>> -> memref<128x128xf32, #tpu.memory_space<vmem>>
      tpu.wait_dma2 semaphore(%run_scoped3A_280 : memref<!tpu.dma_semaphore, #tpu.memory_space<semaphore_mem>>) src(%dma_wait3A_320 : memref<128x128xf32, #tpu.memory_space<vmem>>) dst(%dma_wait3A_316 : memref<128x128xf32, #tpu.memory_space<hbm>>)
      tpu.yield
    }) : () -> ()
    %dma_start3A_228 = arith.constant 3 : i32
    %dma_start3A_229 = arith.constant 1 : i32
    %dma_start3A_230 = arith.constant 0 : i32
    %dma_start3A_231 = arith.constant 0 : i32
    %dma_start3A_232 = tpu.memref_slice %arg6[%dma_start3A_229, %dma_start3A_230, %dma_start3A_231] : memref<2x128x128xf32, #tpu.memory_space<vmem>> -> memref<1x128x128xf32, #tpu.memory_space<vmem>>
    %dma_start3A_233 = tpu.memref_squeeze %dma_start3A_232 : memref<1x128x128xf32, #tpu.memory_space<vmem>> -> memref<128x128xf32, #tpu.memory_space<vmem>>
    %dma_start3A_234 = arith.constant 0 : i32
    %dma_start3A_235 = tpu.memref_slice %arg8[%dma_start3A_228, %dma_start3A_234] : memref<4x128xi32, #tpu.memory_space<vmem>> -> memref<1x128xi32, #tpu.memory_space<vmem>>
    %dma_start3A_236 = tpu.memref_squeeze %dma_start3A_235 : memref<1x128xi32, #tpu.memory_space<vmem>> -> memref<128xi32, #tpu.memory_space<vmem>>
    %dma_start3A_237 = arith.constant 0 : i32
    %dma_start3A_238 = arith.constant 0 : i32
    %dma_start3A_239 = tpu.memref_slice %arg2[%dma_start3A_237, %dma_start3A_238] : memref<640x128xf32, #tpu.memory_space<hbm>> -> memref<640x128xf32, #tpu.memory_space<hbm>>
    tpu.enqueue_indirect_dma source(%dma_start3A_239 : memref<640x128xf32, #tpu.memory_space<hbm>>) target(%dma_start3A_233 : memref<128x128xf32, #tpu.memory_space<vmem>>) offsets(%dma_start3A_236 : memref<128xi32, #tpu.memory_space<vmem>>) semaphore(%arg11 : memref<!tpu.dma_semaphore, #tpu.memory_space<semaphore_mem>>)
    %dma_start3A_240 = arith.constant 3 : i32
    %dma_start3A_241 = arith.constant 1 : i32
    %dma_start3A_242 = arith.constant 0 : i32
    %dma_start3A_243 = arith.constant 0 : i32
    %dma_start3A_244 = tpu.memref_slice %arg7[%dma_start3A_241, %dma_start3A_242, %dma_start3A_243] : memref<2x128x128xf32, #tpu.memory_space<vmem>> -> memref<1x128x128xf32, #tpu.memory_space<vmem>>
    %dma_start3A_245 = tpu.memref_squeeze %dma_start3A_244 : memref<1x128x128xf32, #tpu.memory_space<vmem>> -> memref<128x128xf32, #tpu.memory_space<vmem>>
    %dma_start3A_246 = arith.constant 0 : i32
    %dma_start3A_247 = tpu.memref_slice %arg9[%dma_start3A_240, %dma_start3A_246] : memref<4x128xi32, #tpu.memory_space<vmem>> -> memref<1x128xi32, #tpu.memory_space<vmem>>
    %dma_start3A_248 = tpu.memref_squeeze %dma_start3A_247 : memref<1x128xi32, #tpu.memory_space<vmem>> -> memref<128xi32, #tpu.memory_space<vmem>>
    %dma_start3A_249 = arith.constant 0 : i32
    %dma_start3A_250 = arith.constant 0 : i32
    %dma_start3A_251 = tpu.memref_slice %arg2[%dma_start3A_249, %dma_start3A_250] : memref<640x128xf32, #tpu.memory_space<hbm>> -> memref<640x128xf32, #tpu.memory_space<hbm>>
    tpu.enqueue_indirect_dma source(%dma_start3A_251 : memref<640x128xf32, #tpu.memory_space<hbm>>) target(%dma_start3A_245 : memref<128x128xf32, #tpu.memory_space<vmem>>) offsets(%dma_start3A_248 : memref<128xi32, #tpu.memory_space<vmem>>) semaphore(%arg13 : memref<!tpu.dma_semaphore, #tpu.memory_space<semaphore_mem>>)
    %add3A_252 = arith.constant 384 : i32
    %add3A_253 = arith.addi %mul3A_56, %add3A_252 : i32
    %dma_wait3A_254 = arith.constant 3 : i32
    %dma_wait3A_255 = arith.constant 1 : i32
    %dma_wait3A_256 = arith.constant 0 : i32
    %dma_wait3A_257 = arith.constant 0 : i32
    %dma_wait3A_258 = tpu.memref_slice %arg6[%dma_wait3A_255, %dma_wait3A_256, %dma_wait3A_257] : memref<2x128x128xf32, #tpu.memory_space<vmem>> -> memref<1x128x128xf32, #tpu.memory_space<vmem>>
    %dma_wait3A_259 = tpu.memref_squeeze %dma_wait3A_258 : memref<1x128x128xf32, #tpu.memory_space<vmem>> -> memref<128x128xf32, #tpu.memory_space<vmem>>
    %dma_wait3A_260 = arith.constant 0 : i32
    %dma_wait3A_261 = tpu.memref_slice %arg8[%dma_wait3A_254, %dma_wait3A_260] : memref<4x128xi32, #tpu.memory_space<vmem>> -> memref<1x128xi32, #tpu.memory_space<vmem>>
    %dma_wait3A_262 = tpu.memref_squeeze %dma_wait3A_261 : memref<1x128xi32, #tpu.memory_space<vmem>> -> memref<128xi32, #tpu.memory_space<vmem>>
    %dma_wait3A_263 = arith.constant 0 : i32
    %dma_wait3A_264 = arith.constant 0 : i32
    %dma_wait3A_265 = tpu.memref_slice %arg2[%dma_wait3A_263, %dma_wait3A_264] : memref<640x128xf32, #tpu.memory_space<hbm>> -> memref<640x128xf32, #tpu.memory_space<hbm>>
    tpu.wait_indirect_dma semaphore(%arg11 : memref<!tpu.dma_semaphore, #tpu.memory_space<semaphore_mem>>) src(%dma_wait3A_265 : memref<640x128xf32, #tpu.memory_space<hbm>>) dst(%dma_wait3A_259 : memref<128x128xf32, #tpu.memory_space<vmem>>)
    %run_scoped3A_266 = arith.constant 1 : i32
    "tpu.region"() ({
      %run_scoped3A_280 = tpu.sem_alloc : memref<!tpu.dma_semaphore, #tpu.memory_space<semaphore_mem>>
      %dma_start3A_281 = arith.constant 0 : i32
      %dma_start3A_282 = arith.constant 0 : i32
      %dma_start3A_283 = tpu.memref_slice %arg6[%run_scoped3A_266, %dma_start3A_281, %dma_start3A_282] : memref<2x128x128xf32, #tpu.memory_space<vmem>> -> memref<1x128x128xf32, #tpu.memory_space<vmem>>
      %dma_start3A_284 = tpu.memref_squeeze %dma_start3A_283 : memref<1x128x128xf32, #tpu.memory_space<vmem>> -> memref<128x128xf32, #tpu.memory_space<vmem>>
      %dma_start3A_285 = arith.constant 0 : i32
      %dma_start3A_286 = tpu.memref_slice %arg5[%select_n3A_40, %add3A_253, %dma_start3A_285] : memref<8x2048x256xf32, #tpu.memory_space<hbm>> -> memref<1x128x256xf32, #tpu.memory_space<hbm>>
      %dma_start3A_287 = tpu.memref_squeeze %dma_start3A_286 : memref<1x128x256xf32, #tpu.memory_space<hbm>> -> memref<128x256xf32, #tpu.memory_space<hbm>>
      %dma_start3A_288 = arith.constant 0 : i32
      %dma_start3A_289 = arith.constant 0 : i32
      %dma_start3A_290 = tpu.memref_slice %dma_start3A_287[%dma_start3A_288, %dma_start3A_289] : memref<128x256xf32, #tpu.memory_space<hbm>> -> memref<128x128xf32, #tpu.memory_space<hbm>>
      %dma_start3A_291 = arith.constant 0 : i32
      %dma_start3A_292 = tpu.memref_slice %arg5[%select_n3A_40, %add3A_253, %dma_start3A_291] : memref<8x2048x256xf32, #tpu.memory_space<hbm>> -> memref<1x128x256xf32, #tpu.memory_space<hbm>>
      %dma_start3A_293 = tpu.memref_squeeze %dma_start3A_292 : memref<1x128x256xf32, #tpu.memory_space<hbm>> -> memref<128x256xf32, #tpu.memory_space<hbm>>
      %dma_start3A_294 = arith.constant 0 : i32
      %dma_start3A_295 = arith.constant 0 : i32
      %dma_start3A_296 = tpu.memref_slice %dma_start3A_293[%dma_start3A_294, %dma_start3A_295] : memref<128x256xf32, #tpu.memory_space<hbm>> -> memref<128x128xf32, #tpu.memory_space<hbm>>
      %dma_start3A_297 = arith.constant 0 : i32
      %dma_start3A_298 = arith.constant 0 : i32
      %dma_start3A_299 = tpu.memref_slice %arg6[%run_scoped3A_266, %dma_start3A_297, %dma_start3A_298] : memref<2x128x128xf32, #tpu.memory_space<vmem>> -> memref<1x128x128xf32, #tpu.memory_space<vmem>>
      %dma_start3A_300 = tpu.memref_squeeze %dma_start3A_299 : memref<1x128x128xf32, #tpu.memory_space<vmem>> -> memref<128x128xf32, #tpu.memory_space<vmem>>
      tpu.enqueue_dma source(%dma_start3A_300 : memref<128x128xf32, #tpu.memory_space<vmem>>) target(%dma_start3A_296 : memref<128x128xf32, #tpu.memory_space<hbm>>) target_semaphore(%run_scoped3A_280 : memref<!tpu.dma_semaphore, #tpu.memory_space<semaphore_mem>>)
      %dma_wait3A_301 = arith.constant 0 : i32
      %dma_wait3A_302 = arith.constant 0 : i32
      %dma_wait3A_303 = tpu.memref_slice %arg6[%run_scoped3A_266, %dma_wait3A_301, %dma_wait3A_302] : memref<2x128x128xf32, #tpu.memory_space<vmem>> -> memref<1x128x128xf32, #tpu.memory_space<vmem>>
      %dma_wait3A_304 = tpu.memref_squeeze %dma_wait3A_303 : memref<1x128x128xf32, #tpu.memory_space<vmem>> -> memref<128x128xf32, #tpu.memory_space<vmem>>
      %dma_wait3A_305 = arith.constant 0 : i32
      %dma_wait3A_306 = tpu.memref_slice %arg5[%select_n3A_40, %add3A_253, %dma_wait3A_305] : memref<8x2048x256xf32, #tpu.memory_space<hbm>> -> memref<1x128x256xf32, #tpu.memory_space<hbm>>
      %dma_wait3A_307 = tpu.memref_squeeze %dma_wait3A_306 : memref<1x128x256xf32, #tpu.memory_space<hbm>> -> memref<128x256xf32, #tpu.memory_space<hbm>>
      %dma_wait3A_308 = arith.constant 0 : i32
      %dma_wait3A_309 = arith.constant 0 : i32
      %dma_wait3A_310 = tpu.memref_slice %dma_wait3A_307[%dma_wait3A_308, %dma_wait3A_309] : memref<128x256xf32, #tpu.memory_space<hbm>> -> memref<128x128xf32, #tpu.memory_space<hbm>>
      %dma_wait3A_311 = arith.constant 0 : i32
      %dma_wait3A_312 = tpu.memref_slice %arg5[%select_n3A_40, %add3A_253, %dma_wait3A_311] : memref<8x2048x256xf32, #tpu.memory_space<hbm>> -> memref<1x128x256xf32, #tpu.memory_space<hbm>>
      %dma_wait3A_313 = tpu.memref_squeeze %dma_wait3A_312 : memref<1x128x256xf32, #tpu.memory_space<hbm>> -> memref<128x256xf32, #tpu.memory_space<hbm>>
      %dma_wait3A_314 = arith.constant 0 : i32
      %dma_wait3A_315 = arith.constant 0 : i32
      %dma_wait3A_316 = tpu.memref_slice %dma_wait3A_313[%dma_wait3A_314, %dma_wait3A_315] : memref<128x256xf32, #tpu.memory_space<hbm>> -> memref<128x128xf32, #tpu.memory_space<hbm>>
      %dma_wait3A_317 = arith.constant 0 : i32
      %dma_wait3A_318 = arith.constant 0 : i32
      %dma_wait3A_319 = tpu.memref_slice %arg6[%run_scoped3A_266, %dma_wait3A_317, %dma_wait3A_318] : memref<2x128x128xf32, #tpu.memory_space<vmem>> -> memref<1x128x128xf32, #tpu.memory_space<vmem>>
      %dma_wait3A_320 = tpu.memref_squeeze %dma_wait3A_319 : memref<1x128x128xf32, #tpu.memory_space<vmem>> -> memref<128x128xf32, #tpu.memory_space<vmem>>
      tpu.wait_dma2 semaphore(%run_scoped3A_280 : memref<!tpu.dma_semaphore, #tpu.memory_space<semaphore_mem>>) src(%dma_wait3A_320 : memref<128x128xf32, #tpu.memory_space<vmem>>) dst(%dma_wait3A_316 : memref<128x128xf32, #tpu.memory_space<hbm>>)
      tpu.yield
    }) : () -> ()
    %dma_wait3A_267 = arith.constant 3 : i32
    %dma_wait3A_268 = arith.constant 1 : i32
    %dma_wait3A_269 = arith.constant 0 : i32
    %dma_wait3A_270 = arith.constant 0 : i32
    %dma_wait3A_271 = tpu.memref_slice %arg7[%dma_wait3A_268, %dma_wait3A_269, %dma_wait3A_270] : memref<2x128x128xf32, #tpu.memory_space<vmem>> -> memref<1x128x128xf32, #tpu.memory_space<vmem>>
    %dma_wait3A_272 = tpu.memref_squeeze %dma_wait3A_271 : memref<1x128x128xf32, #tpu.memory_space<vmem>> -> memref<128x128xf32, #tpu.memory_space<vmem>>
    %dma_wait3A_273 = arith.constant 0 : i32
    %dma_wait3A_274 = tpu.memref_slice %arg9[%dma_wait3A_267, %dma_wait3A_273] : memref<4x128xi32, #tpu.memory_space<vmem>> -> memref<1x128xi32, #tpu.memory_space<vmem>>
    %dma_wait3A_275 = tpu.memref_squeeze %dma_wait3A_274 : memref<1x128xi32, #tpu.memory_space<vmem>> -> memref<128xi32, #tpu.memory_space<vmem>>
    %dma_wait3A_276 = arith.constant 0 : i32
    %dma_wait3A_277 = arith.constant 0 : i32
    %dma_wait3A_278 = tpu.memref_slice %arg2[%dma_wait3A_276, %dma_wait3A_277] : memref<640x128xf32, #tpu.memory_space<hbm>> -> memref<640x128xf32, #tpu.memory_space<hbm>>
    tpu.wait_indirect_dma semaphore(%arg13 : memref<!tpu.dma_semaphore, #tpu.memory_space<semaphore_mem>>) src(%dma_wait3A_278 : memref<640x128xf32, #tpu.memory_space<hbm>>) dst(%dma_wait3A_272 : memref<128x128xf32, #tpu.memory_space<vmem>>)
    %run_scoped3A_279 = arith.constant 1 : i32
    "tpu.region"() ({
      %run_scoped3A_280 = tpu.sem_alloc : memref<!tpu.dma_semaphore, #tpu.memory_space<semaphore_mem>>
      %dma_start3A_281 = arith.constant 0 : i32
      %dma_start3A_282 = arith.constant 0 : i32
      %dma_start3A_283 = tpu.memref_slice %arg7[%run_scoped3A_279, %dma_start3A_281, %dma_start3A_282] : memref<2x128x128xf32, #tpu.memory_space<vmem>> -> memref<1x128x128xf32, #tpu.memory_space<vmem>>
      %dma_start3A_284 = tpu.memref_squeeze %dma_start3A_283 : memref<1x128x128xf32, #tpu.memory_space<vmem>> -> memref<128x128xf32, #tpu.memory_space<vmem>>
      %dma_start3A_285 = arith.constant 0 : i32
      %dma_start3A_286 = tpu.memref_slice %arg5[%select_n3A_40, %add3A_253, %dma_start3A_285] : memref<8x2048x256xf32, #tpu.memory_space<hbm>> -> memref<1x128x256xf32, #tpu.memory_space<hbm>>
      %dma_start3A_287 = tpu.memref_squeeze %dma_start3A_286 : memref<1x128x256xf32, #tpu.memory_space<hbm>> -> memref<128x256xf32, #tpu.memory_space<hbm>>
      %dma_start3A_288 = arith.constant 0 : i32
      %dma_start3A_289 = arith.constant 128 : i32
      %dma_start3A_290 = tpu.memref_slice %dma_start3A_287[%dma_start3A_288, %dma_start3A_289] : memref<128x256xf32, #tpu.memory_space<hbm>> -> memref<128x128xf32, #tpu.memory_space<hbm>>
      %dma_start3A_291 = arith.constant 0 : i32
      %dma_start3A_292 = tpu.memref_slice %arg5[%select_n3A_40, %add3A_253, %dma_start3A_291] : memref<8x2048x256xf32, #tpu.memory_space<hbm>> -> memref<1x128x256xf32, #tpu.memory_space<hbm>>
      %dma_start3A_293 = tpu.memref_squeeze %dma_start3A_292 : memref<1x128x256xf32, #tpu.memory_space<hbm>> -> memref<128x256xf32, #tpu.memory_space<hbm>>
      %dma_start3A_294 = arith.constant 0 : i32
      %dma_start3A_295 = arith.constant 128 : i32
      %dma_start3A_296 = tpu.memref_slice %dma_start3A_293[%dma_start3A_294, %dma_start3A_295] : memref<128x256xf32, #tpu.memory_space<hbm>> -> memref<128x128xf32, #tpu.memory_space<hbm>>
      %dma_start3A_297 = arith.constant 0 : i32
      %dma_start3A_298 = arith.constant 0 : i32
      %dma_start3A_299 = tpu.memref_slice %arg7[%run_scoped3A_279, %dma_start3A_297, %dma_start3A_298] : memref<2x128x128xf32, #tpu.memory_space<vmem>> -> memref<1x128x128xf32, #tpu.memory_space<vmem>>
      %dma_start3A_300 = tpu.memref_squeeze %dma_start3A_299 : memref<1x128x128xf32, #tpu.memory_space<vmem>> -> memref<128x128xf32, #tpu.memory_space<vmem>>
      tpu.enqueue_dma source(%dma_start3A_300 : memref<128x128xf32, #tpu.memory_space<vmem>>) target(%dma_start3A_296 : memref<128x128xf32, #tpu.memory_space<hbm>>) target_semaphore(%run_scoped3A_280 : memref<!tpu.dma_semaphore, #tpu.memory_space<semaphore_mem>>)
      %dma_wait3A_301 = arith.constant 0 : i32
      %dma_wait3A_302 = arith.constant 0 : i32
      %dma_wait3A_303 = tpu.memref_slice %arg7[%run_scoped3A_279, %dma_wait3A_301, %dma_wait3A_302] : memref<2x128x128xf32, #tpu.memory_space<vmem>> -> memref<1x128x128xf32, #tpu.memory_space<vmem>>
      %dma_wait3A_304 = tpu.memref_squeeze %dma_wait3A_303 : memref<1x128x128xf32, #tpu.memory_space<vmem>> -> memref<128x128xf32, #tpu.memory_space<vmem>>
      %dma_wait3A_305 = arith.constant 0 : i32
      %dma_wait3A_306 = tpu.memref_slice %arg5[%select_n3A_40, %add3A_253, %dma_wait3A_305] : memref<8x2048x256xf32, #tpu.memory_space<hbm>> -> memref<1x128x256xf32, #tpu.memory_space<hbm>>
      %dma_wait3A_307 = tpu.memref_squeeze %dma_wait3A_306 : memref<1x128x256xf32, #tpu.memory_space<hbm>> -> memref<128x256xf32, #tpu.memory_space<hbm>>
      %dma_wait3A_308 = arith.constant 0 : i32
      %dma_wait3A_309 = arith.constant 128 : i32
      %dma_wait3A_310 = tpu.memref_slice %dma_wait3A_307[%dma_wait3A_308, %dma_wait3A_309] : memref<128x256xf32, #tpu.memory_space<hbm>> -> memref<128x128xf32, #tpu.memory_space<hbm>>
      %dma_wait3A_311 = arith.constant 0 : i32
      %dma_wait3A_312 = tpu.memref_slice %arg5[%select_n3A_40, %add3A_253, %dma_wait3A_311] : memref<8x2048x256xf32, #tpu.memory_space<hbm>> -> memref<1x128x256xf32, #tpu.memory_space<hbm>>
      %dma_wait3A_313 = tpu.memref_squeeze %dma_wait3A_312 : memref<1x128x256xf32, #tpu.memory_space<hbm>> -> memref<128x256xf32, #tpu.memory_space<hbm>>
      %dma_wait3A_314 = arith.constant 0 : i32
      %dma_wait3A_315 = arith.constant 128 : i32
      %dma_wait3A_316 = tpu.memref_slice %dma_wait3A_313[%dma_wait3A_314, %dma_wait3A_315] : memref<128x256xf32, #tpu.memory_space<hbm>> -> memref<128x128xf32, #tpu.memory_space<hbm>>
      %dma_wait3A_317 = arith.constant 0 : i32
      %dma_wait3A_318 = arith.constant 0 : i32
      %dma_wait3A_319 = tpu.memref_slice %arg7[%run_scoped3A_279, %dma_wait3A_317, %dma_wait3A_318] : memref<2x128x128xf32, #tpu.memory_space<vmem>> -> memref<1x128x128xf32, #tpu.memory_space<vmem>>
      %dma_wait3A_320 = tpu.memref_squeeze %dma_wait3A_319 : memref<1x128x128xf32, #tpu.memory_space<vmem>> -> memref<128x128xf32, #tpu.memory_space<vmem>>
      tpu.wait_dma2 semaphore(%run_scoped3A_280 : memref<!tpu.dma_semaphore, #tpu.memory_space<semaphore_mem>>) src(%dma_wait3A_320 : memref<128x128xf32, #tpu.memory_space<vmem>>) dst(%dma_wait3A_316 : memref<128x128xf32, #tpu.memory_space<hbm>>)
      tpu.yield
    }) : () -> ()
    return
  }
}

module attributes {stable_mosaic.version = 14 : i64} {
  func.func @_tc_body(%arg0: i32, %arg1: memref<512x640xf32, #tpu.memory_space<vmem>>, %arg2: memref<1024x512xf32, #tpu.memory_space<vmem>>, %arg3: memref<640x1024xf32, #tpu.memory_space<vmem>>, %arg4: memref<1x8x128xi32, #tpu.memory_space<vmem>>, %arg5: memref<1x8x128xi32, #tpu.memory_space<vmem>>, %arg6: memref<640x128xf32, #tpu.memory_space<vmem>>, %arg7: memref<1x128xf32, #tpu.memory_space<vmem>>) attributes {dimension_semantics = [#tpu.dimension_semantics<arbitrary>], iteration_bounds = array<i64: 16>, scalar_prefetch = 0 : i64, scratch_operands = 0 : i64, tpu.core_type = #tpu.core_type<tc>, window_params = [{pipeline_mode = #tpu.pipeline_mode<synchronous>, transform_indices = @transform_0, window_bounds = array<i64: 512, 640>}, {transform_indices = @transform_1, window_bounds = array<i64: 1024, 512>}, {pipeline_mode = #tpu.pipeline_mode<synchronous>, transform_indices = @transform_2, window_bounds = array<i64: 640, 1024>}, {transform_indices = @transform_3, window_bounds = array<i64: 1, 8, 128>}, {transform_indices = @transform_4, window_bounds = array<i64: 1, 8, 128>}, {pipeline_mode = #tpu.pipeline_mode<synchronous>, transform_indices = @transform_5, window_bounds = array<i64: 640, 128>}, {pipeline_mode = #tpu.pipeline_mode<synchronous>, transform_indices = @transform_6, window_bounds = array<i64: 1, 128>}]} {
    %get3A = arith.constant 0 : index
    %get3A_0 = arith.constant 0 : index
    %get3A_1 = vector.load %arg1[%get3A, %get3A_0] : memref<512x640xf32, #tpu.memory_space<vmem>>, vector<512x640xf32>
    %get3A_2 = arith.constant 0 : index
    %get3A_3 = arith.constant 0 : index
    %get3A_4 = vector.load %arg2[%get3A_2, %get3A_3] : memref<1024x512xf32, #tpu.memory_space<vmem>>, vector<1024x512xf32>
    %dot_general3A = arith.constant dense<0.000000e+00> : vector<640x1024xf32>
    %dot_general3A_5 = tpu.matmul %get3A_1, %get3A_4, %dot_general3A {dimension_numbers = #tpu.dot_dimension_numbers<[0], [1], [1], [0], [0, 1, 1, 0], [], []>, transpose_lhs_hint = false} : vector<512x640xf32>, vector<1024x512xf32>, vector<640x1024xf32> -> vector<640x1024xf32>
    %get3A_6 = arith.constant 0 : index
    %get3A_7 = arith.constant 0 : index
    %get3A_8 = vector.load %arg3[%get3A_6, %get3A_7] : memref<640x1024xf32, #tpu.memory_space<vmem>>, vector<640x1024xf32>
    %add3A = arith.addf %dot_general3A_5, %get3A_8 : vector<640x1024xf32>
    %iota3A = tpu.iota {dimensions = array<i32: 0>} : vector<640x1024xi32>
    %iota3A_9 = tpu.iota {dimensions = array<i32: 1>} : vector<640x1024xi32>
    %mul3A = arith.constant 1024 : i32
    %mul3A_10 = arith.muli %arg0, %mul3A : i32
    %add3A_11 = vector.broadcast %mul3A_10 : i32 to vector<640x1024xi32>
    %add3A_12 = arith.addi %add3A_11, %iota3A_9 : vector<640x1024xi32>
    %mul3A_13 = arith.constant 640 : i32
    %mul3A_14 = vector.broadcast %mul3A_13 : i32 to vector<640x1024xi32>
    %mul3A_15 = arith.muli %add3A_12, %mul3A_14 : vector<640x1024xi32>
    %add3A_16 = arith.addi %mul3A_15, %iota3A : vector<640x1024xi32>
    %broadcast_in_dim3A = arith.constant 0 : i32
    %broadcast_in_dim3A_17 = vector.broadcast %broadcast_in_dim3A : i32 to vector<640x1024xi32>
    %add3A_18 = arith.constant 42 : i32
    %add3A_19 = vector.broadcast %add3A_18 : i32 to vector<640x1024xi32>
    %add3A_20 = arith.addi %add3A_16, %add3A_19 : vector<640x1024xi32>
    %add3A_21 = arith.addi %broadcast_in_dim3A_17, %add3A_20 : vector<640x1024xi32>
    %shift_left3A = arith.constant 13 : i32
    %shift_left3A_22 = vector.broadcast %shift_left3A : i32 to vector<640x1024xi32>
    %shift_left3A_23 = arith.shli %add3A_20, %shift_left3A_22 : vector<640x1024xi32>
    %shift_right_logical3A = arith.constant 19 : i32
    %shift_right_logical3A_24 = vector.broadcast %shift_right_logical3A : i32 to vector<640x1024xi32>
    %shift_right_logical3A_25 = arith.shrui %add3A_20, %shift_right_logical3A_24 : vector<640x1024xi32>
    %or3A = arith.ori %shift_left3A_23, %shift_right_logical3A_25 : vector<640x1024xi32>
    %xor3A = arith.xori %or3A, %add3A_21 : vector<640x1024xi32>
    %add3A_26 = arith.addi %add3A_21, %xor3A : vector<640x1024xi32>
    %shift_left3A_27 = arith.constant 15 : i32
    %shift_left3A_28 = vector.broadcast %shift_left3A_27 : i32 to vector<640x1024xi32>
    %shift_left3A_29 = arith.shli %xor3A, %shift_left3A_28 : vector<640x1024xi32>
    %shift_right_logical3A_30 = arith.constant 17 : i32
    %shift_right_logical3A_31 = vector.broadcast %shift_right_logical3A_30 : i32 to vector<640x1024xi32>
    %shift_right_logical3A_32 = arith.shrui %xor3A, %shift_right_logical3A_31 : vector<640x1024xi32>
    %or3A_33 = arith.ori %shift_left3A_29, %shift_right_logical3A_32 : vector<640x1024xi32>
    %xor3A_34 = arith.xori %or3A_33, %add3A_26 : vector<640x1024xi32>
    %add3A_35 = arith.addi %add3A_26, %xor3A_34 : vector<640x1024xi32>
    %shift_left3A_36 = arith.constant 26 : i32
    %shift_left3A_37 = vector.broadcast %shift_left3A_36 : i32 to vector<640x1024xi32>
    %shift_left3A_38 = arith.shli %xor3A_34, %shift_left3A_37 : vector<640x1024xi32>
    %shift_right_logical3A_39 = arith.constant 6 : i32
    %shift_right_logical3A_40 = vector.broadcast %shift_right_logical3A_39 : i32 to vector<640x1024xi32>
    %shift_right_logical3A_41 = arith.shrui %xor3A_34, %shift_right_logical3A_40 : vector<640x1024xi32>
    %or3A_42 = arith.ori %shift_left3A_38, %shift_right_logical3A_41 : vector<640x1024xi32>
    %xor3A_43 = arith.xori %or3A_42, %add3A_35 : vector<640x1024xi32>
    %add3A_44 = arith.addi %add3A_35, %xor3A_43 : vector<640x1024xi32>
    %shift_left3A_45 = arith.constant 6 : i32
    %shift_left3A_46 = vector.broadcast %shift_left3A_45 : i32 to vector<640x1024xi32>
    %shift_left3A_47 = arith.shli %xor3A_43, %shift_left3A_46 : vector<640x1024xi32>
    %shift_right_logical3A_48 = arith.constant 26 : i32
    %shift_right_logical3A_49 = vector.broadcast %shift_right_logical3A_48 : i32 to vector<640x1024xi32>
    %shift_right_logical3A_50 = arith.shrui %xor3A_43, %shift_right_logical3A_49 : vector<640x1024xi32>
    %or3A_51 = arith.ori %shift_left3A_47, %shift_right_logical3A_50 : vector<640x1024xi32>
    %xor3A_52 = arith.xori %or3A_51, %add3A_44 : vector<640x1024xi32>
    %add3A_53 = arith.constant 42 : i32
    %add3A_54 = vector.broadcast %add3A_53 : i32 to vector<640x1024xi32>
    %add3A_55 = arith.addi %add3A_44, %add3A_54 : vector<640x1024xi32>
    %add3A_56 = arith.constant 466689008 : i32
    %add3A_57 = vector.broadcast %add3A_56 : i32 to vector<640x1024xi32>
    %add3A_58 = arith.addi %xor3A_52, %add3A_57 : vector<640x1024xi32>
    %add3A_59 = arith.constant 1 : i32
    %add3A_60 = vector.broadcast %add3A_59 : i32 to vector<640x1024xi32>
    %add3A_61 = arith.addi %add3A_58, %add3A_60 : vector<640x1024xi32>
    %add3A_62 = arith.addi %add3A_55, %add3A_61 : vector<640x1024xi32>
    %shift_left3A_63 = arith.constant 17 : i32
    %shift_left3A_64 = vector.broadcast %shift_left3A_63 : i32 to vector<640x1024xi32>
    %shift_left3A_65 = arith.shli %add3A_61, %shift_left3A_64 : vector<640x1024xi32>
    %shift_right_logical3A_66 = arith.constant 15 : i32
    %shift_right_logical3A_67 = vector.broadcast %shift_right_logical3A_66 : i32 to vector<640x1024xi32>
    %shift_right_logical3A_68 = arith.shrui %add3A_61, %shift_right_logical3A_67 : vector<640x1024xi32>
    %or3A_69 = arith.ori %shift_left3A_65, %shift_right_logical3A_68 : vector<640x1024xi32>
    %xor3A_70 = arith.xori %or3A_69, %add3A_62 : vector<640x1024xi32>
    %add3A_71 = arith.addi %add3A_62, %xor3A_70 : vector<640x1024xi32>
    %shift_left3A_72 = arith.constant 29 : i32
    %shift_left3A_73 = vector.broadcast %shift_left3A_72 : i32 to vector<640x1024xi32>
    %shift_left3A_74 = arith.shli %xor3A_70, %shift_left3A_73 : vector<640x1024xi32>
    %shift_right_logical3A_75 = arith.constant 3 : i32
    %shift_right_logical3A_76 = vector.broadcast %shift_right_logical3A_75 : i32 to vector<640x1024xi32>
    %shift_right_logical3A_77 = arith.shrui %xor3A_70, %shift_right_logical3A_76 : vector<640x1024xi32>
    %or3A_78 = arith.ori %shift_left3A_74, %shift_right_logical3A_77 : vector<640x1024xi32>
    %xor3A_79 = arith.xori %or3A_78, %add3A_71 : vector<640x1024xi32>
    %add3A_80 = arith.addi %add3A_71, %xor3A_79 : vector<640x1024xi32>
    %shift_left3A_81 = arith.constant 16 : i32
    %shift_left3A_82 = vector.broadcast %shift_left3A_81 : i32 to vector<640x1024xi32>
    %shift_left3A_83 = arith.shli %xor3A_79, %shift_left3A_82 : vector<640x1024xi32>
    %shift_right_logical3A_84 = arith.constant 16 : i32
    %shift_right_logical3A_85 = vector.broadcast %shift_right_logical3A_84 : i32 to vector<640x1024xi32>
    %shift_right_logical3A_86 = arith.shrui %xor3A_79, %shift_right_logical3A_85 : vector<640x1024xi32>
    %or3A_87 = arith.ori %shift_left3A_83, %shift_right_logical3A_86 : vector<640x1024xi32>
    %xor3A_88 = arith.xori %or3A_87, %add3A_80 : vector<640x1024xi32>
    %add3A_89 = arith.addi %add3A_80, %xor3A_88 : vector<640x1024xi32>
    %shift_left3A_90 = arith.constant 24 : i32
    %shift_left3A_91 = vector.broadcast %shift_left3A_90 : i32 to vector<640x1024xi32>
    %shift_left3A_92 = arith.shli %xor3A_88, %shift_left3A_91 : vector<640x1024xi32>
    %shift_right_logical3A_93 = arith.constant 8 : i32
    %shift_right_logical3A_94 = vector.broadcast %shift_right_logical3A_93 : i32 to vector<640x1024xi32>
    %shift_right_logical3A_95 = arith.shrui %xor3A_88, %shift_right_logical3A_94 : vector<640x1024xi32>
    %or3A_96 = arith.ori %shift_left3A_92, %shift_right_logical3A_95 : vector<640x1024xi32>
    %xor3A_97 = arith.xori %or3A_96, %add3A_89 : vector<640x1024xi32>
    %add3A_98 = arith.constant 466689008 : i32
    %add3A_99 = vector.broadcast %add3A_98 : i32 to vector<640x1024xi32>
    %add3A_100 = arith.addi %add3A_89, %add3A_99 : vector<640x1024xi32>
    %add3A_101 = arith.constant 0 : i32
    %add3A_102 = vector.broadcast %add3A_101 : i32 to vector<640x1024xi32>
    %add3A_103 = arith.addi %xor3A_97, %add3A_102 : vector<640x1024xi32>
    %add3A_104 = arith.constant 2 : i32
    %add3A_105 = vector.broadcast %add3A_104 : i32 to vector<640x1024xi32>
    %add3A_106 = arith.addi %add3A_103, %add3A_105 : vector<640x1024xi32>
    %add3A_107 = arith.addi %add3A_100, %add3A_106 : vector<640x1024xi32>
    %shift_left3A_108 = arith.constant 13 : i32
    %shift_left3A_109 = vector.broadcast %shift_left3A_108 : i32 to vector<640x1024xi32>
    %shift_left3A_110 = arith.shli %add3A_106, %shift_left3A_109 : vector<640x1024xi32>
    %shift_right_logical3A_111 = arith.constant 19 : i32
    %shift_right_logical3A_112 = vector.broadcast %shift_right_logical3A_111 : i32 to vector<640x1024xi32>
    %shift_right_logical3A_113 = arith.shrui %add3A_106, %shift_right_logical3A_112 : vector<640x1024xi32>
    %or3A_114 = arith.ori %shift_left3A_110, %shift_right_logical3A_113 : vector<640x1024xi32>
    %xor3A_115 = arith.xori %or3A_114, %add3A_107 : vector<640x1024xi32>
    %add3A_116 = arith.addi %add3A_107, %xor3A_115 : vector<640x1024xi32>
    %shift_left3A_117 = arith.constant 15 : i32
    %shift_left3A_118 = vector.broadcast %shift_left3A_117 : i32 to vector<640x1024xi32>
    %shift_left3A_119 = arith.shli %xor3A_115, %shift_left3A_118 : vector<640x1024xi32>
    %shift_right_logical3A_120 = arith.constant 17 : i32
    %shift_right_logical3A_121 = vector.broadcast %shift_right_logical3A_120 : i32 to vector<640x1024xi32>
    %shift_right_logical3A_122 = arith.shrui %xor3A_115, %shift_right_logical3A_121 : vector<640x1024xi32>
    %or3A_123 = arith.ori %shift_left3A_119, %shift_right_logical3A_122 : vector<640x1024xi32>
    %xor3A_124 = arith.xori %or3A_123, %add3A_116 : vector<640x1024xi32>
    %add3A_125 = arith.addi %add3A_116, %xor3A_124 : vector<640x1024xi32>
    %shift_left3A_126 = arith.constant 26 : i32
    %shift_left3A_127 = vector.broadcast %shift_left3A_126 : i32 to vector<640x1024xi32>
    %shift_left3A_128 = arith.shli %xor3A_124, %shift_left3A_127 : vector<640x1024xi32>
    %shift_right_logical3A_129 = arith.constant 6 : i32
    %shift_right_logical3A_130 = vector.broadcast %shift_right_logical3A_129 : i32 to vector<640x1024xi32>
    %shift_right_logical3A_131 = arith.shrui %xor3A_124, %shift_right_logical3A_130 : vector<640x1024xi32>
    %or3A_132 = arith.ori %shift_left3A_128, %shift_right_logical3A_131 : vector<640x1024xi32>
    %xor3A_133 = arith.xori %or3A_132, %add3A_125 : vector<640x1024xi32>
    %add3A_134 = arith.addi %add3A_125, %xor3A_133 : vector<640x1024xi32>
    %shift_left3A_135 = arith.constant 6 : i32
    %shift_left3A_136 = vector.broadcast %shift_left3A_135 : i32 to vector<640x1024xi32>
    %shift_left3A_137 = arith.shli %xor3A_133, %shift_left3A_136 : vector<640x1024xi32>
    %shift_right_logical3A_138 = arith.constant 26 : i32
    %shift_right_logical3A_139 = vector.broadcast %shift_right_logical3A_138 : i32 to vector<640x1024xi32>
    %shift_right_logical3A_140 = arith.shrui %xor3A_133, %shift_right_logical3A_139 : vector<640x1024xi32>
    %or3A_141 = arith.ori %shift_left3A_137, %shift_right_logical3A_140 : vector<640x1024xi32>
    %xor3A_142 = arith.xori %or3A_141, %add3A_134 : vector<640x1024xi32>
    %add3A_143 = arith.constant 0 : i32
    %add3A_144 = vector.broadcast %add3A_143 : i32 to vector<640x1024xi32>
    %add3A_145 = arith.addi %add3A_134, %add3A_144 : vector<640x1024xi32>
    %add3A_146 = arith.constant 42 : i32
    %add3A_147 = vector.broadcast %add3A_146 : i32 to vector<640x1024xi32>
    %add3A_148 = arith.addi %xor3A_142, %add3A_147 : vector<640x1024xi32>
    %add3A_149 = arith.constant 3 : i32
    %add3A_150 = vector.broadcast %add3A_149 : i32 to vector<640x1024xi32>
    %add3A_151 = arith.addi %add3A_148, %add3A_150 : vector<640x1024xi32>
    %add3A_152 = arith.addi %add3A_145, %add3A_151 : vector<640x1024xi32>
    %shift_left3A_153 = arith.constant 17 : i32
    %shift_left3A_154 = vector.broadcast %shift_left3A_153 : i32 to vector<640x1024xi32>
    %shift_left3A_155 = arith.shli %add3A_151, %shift_left3A_154 : vector<640x1024xi32>
    %shift_right_logical3A_156 = arith.constant 15 : i32
    %shift_right_logical3A_157 = vector.broadcast %shift_right_logical3A_156 : i32 to vector<640x1024xi32>
    %shift_right_logical3A_158 = arith.shrui %add3A_151, %shift_right_logical3A_157 : vector<640x1024xi32>
    %or3A_159 = arith.ori %shift_left3A_155, %shift_right_logical3A_158 : vector<640x1024xi32>
    %xor3A_160 = arith.xori %or3A_159, %add3A_152 : vector<640x1024xi32>
    %add3A_161 = arith.addi %add3A_152, %xor3A_160 : vector<640x1024xi32>
    %shift_left3A_162 = arith.constant 29 : i32
    %shift_left3A_163 = vector.broadcast %shift_left3A_162 : i32 to vector<640x1024xi32>
    %shift_left3A_164 = arith.shli %xor3A_160, %shift_left3A_163 : vector<640x1024xi32>
    %shift_right_logical3A_165 = arith.constant 3 : i32
    %shift_right_logical3A_166 = vector.broadcast %shift_right_logical3A_165 : i32 to vector<640x1024xi32>
    %shift_right_logical3A_167 = arith.shrui %xor3A_160, %shift_right_logical3A_166 : vector<640x1024xi32>
    %or3A_168 = arith.ori %shift_left3A_164, %shift_right_logical3A_167 : vector<640x1024xi32>
    %xor3A_169 = arith.xori %or3A_168, %add3A_161 : vector<640x1024xi32>
    %add3A_170 = arith.addi %add3A_161, %xor3A_169 : vector<640x1024xi32>
    %shift_left3A_171 = arith.constant 16 : i32
    %shift_left3A_172 = vector.broadcast %shift_left3A_171 : i32 to vector<640x1024xi32>
    %shift_left3A_173 = arith.shli %xor3A_169, %shift_left3A_172 : vector<640x1024xi32>
    %shift_right_logical3A_174 = arith.constant 16 : i32
    %shift_right_logical3A_175 = vector.broadcast %shift_right_logical3A_174 : i32 to vector<640x1024xi32>
    %shift_right_logical3A_176 = arith.shrui %xor3A_169, %shift_right_logical3A_175 : vector<640x1024xi32>
    %or3A_177 = arith.ori %shift_left3A_173, %shift_right_logical3A_176 : vector<640x1024xi32>
    %xor3A_178 = arith.xori %or3A_177, %add3A_170 : vector<640x1024xi32>
    %add3A_179 = arith.addi %add3A_170, %xor3A_178 : vector<640x1024xi32>
    %shift_left3A_180 = arith.constant 24 : i32
    %shift_left3A_181 = vector.broadcast %shift_left3A_180 : i32 to vector<640x1024xi32>
    %shift_left3A_182 = arith.shli %xor3A_178, %shift_left3A_181 : vector<640x1024xi32>
    %shift_right_logical3A_183 = arith.constant 8 : i32
    %shift_right_logical3A_184 = vector.broadcast %shift_right_logical3A_183 : i32 to vector<640x1024xi32>
    %shift_right_logical3A_185 = arith.shrui %xor3A_178, %shift_right_logical3A_184 : vector<640x1024xi32>
    %or3A_186 = arith.ori %shift_left3A_182, %shift_right_logical3A_185 : vector<640x1024xi32>
    %xor3A_187 = arith.xori %or3A_186, %add3A_179 : vector<640x1024xi32>
    %add3A_188 = arith.constant 42 : i32
    %add3A_189 = vector.broadcast %add3A_188 : i32 to vector<640x1024xi32>
    %add3A_190 = arith.addi %add3A_179, %add3A_189 : vector<640x1024xi32>
    %add3A_191 = arith.constant 466689008 : i32
    %add3A_192 = vector.broadcast %add3A_191 : i32 to vector<640x1024xi32>
    %add3A_193 = arith.addi %xor3A_187, %add3A_192 : vector<640x1024xi32>
    %add3A_194 = arith.constant 4 : i32
    %add3A_195 = vector.broadcast %add3A_194 : i32 to vector<640x1024xi32>
    %add3A_196 = arith.addi %add3A_193, %add3A_195 : vector<640x1024xi32>
    %add3A_197 = arith.addi %add3A_190, %add3A_196 : vector<640x1024xi32>
    %shift_left3A_198 = arith.constant 13 : i32
    %shift_left3A_199 = vector.broadcast %shift_left3A_198 : i32 to vector<640x1024xi32>
    %shift_left3A_200 = arith.shli %add3A_196, %shift_left3A_199 : vector<640x1024xi32>
    %shift_right_logical3A_201 = arith.constant 19 : i32
    %shift_right_logical3A_202 = vector.broadcast %shift_right_logical3A_201 : i32 to vector<640x1024xi32>
    %shift_right_logical3A_203 = arith.shrui %add3A_196, %shift_right_logical3A_202 : vector<640x1024xi32>
    %or3A_204 = arith.ori %shift_left3A_200, %shift_right_logical3A_203 : vector<640x1024xi32>
    %xor3A_205 = arith.xori %or3A_204, %add3A_197 : vector<640x1024xi32>
    %add3A_206 = arith.addi %add3A_197, %xor3A_205 : vector<640x1024xi32>
    %shift_left3A_207 = arith.constant 15 : i32
    %shift_left3A_208 = vector.broadcast %shift_left3A_207 : i32 to vector<640x1024xi32>
    %shift_left3A_209 = arith.shli %xor3A_205, %shift_left3A_208 : vector<640x1024xi32>
    %shift_right_logical3A_210 = arith.constant 17 : i32
    %shift_right_logical3A_211 = vector.broadcast %shift_right_logical3A_210 : i32 to vector<640x1024xi32>
    %shift_right_logical3A_212 = arith.shrui %xor3A_205, %shift_right_logical3A_211 : vector<640x1024xi32>
    %or3A_213 = arith.ori %shift_left3A_209, %shift_right_logical3A_212 : vector<640x1024xi32>
    %xor3A_214 = arith.xori %or3A_213, %add3A_206 : vector<640x1024xi32>
    %add3A_215 = arith.addi %add3A_206, %xor3A_214 : vector<640x1024xi32>
    %shift_left3A_216 = arith.constant 26 : i32
    %shift_left3A_217 = vector.broadcast %shift_left3A_216 : i32 to vector<640x1024xi32>
    %shift_left3A_218 = arith.shli %xor3A_214, %shift_left3A_217 : vector<640x1024xi32>
    %shift_right_logical3A_219 = arith.constant 6 : i32
    %shift_right_logical3A_220 = vector.broadcast %shift_right_logical3A_219 : i32 to vector<640x1024xi32>
    %shift_right_logical3A_221 = arith.shrui %xor3A_214, %shift_right_logical3A_220 : vector<640x1024xi32>
    %or3A_222 = arith.ori %shift_left3A_218, %shift_right_logical3A_221 : vector<640x1024xi32>
    %xor3A_223 = arith.xori %or3A_222, %add3A_215 : vector<640x1024xi32>
    %add3A_224 = arith.addi %add3A_215, %xor3A_223 : vector<640x1024xi32>
    %shift_left3A_225 = arith.constant 6 : i32
    %shift_left3A_226 = vector.broadcast %shift_left3A_225 : i32 to vector<640x1024xi32>
    %shift_left3A_227 = arith.shli %xor3A_223, %shift_left3A_226 : vector<640x1024xi32>
    %shift_right_logical3A_228 = arith.constant 26 : i32
    %shift_right_logical3A_229 = vector.broadcast %shift_right_logical3A_228 : i32 to vector<640x1024xi32>
    %shift_right_logical3A_230 = arith.shrui %xor3A_223, %shift_right_logical3A_229 : vector<640x1024xi32>
    %or3A_231 = arith.ori %shift_left3A_227, %shift_right_logical3A_230 : vector<640x1024xi32>
    %xor3A_232 = arith.xori %or3A_231, %add3A_224 : vector<640x1024xi32>
    %add3A_233 = arith.constant 466689008 : i32
    %add3A_234 = vector.broadcast %add3A_233 : i32 to vector<640x1024xi32>
    %add3A_235 = arith.addi %add3A_224, %add3A_234 : vector<640x1024xi32>
    %add3A_236 = arith.constant 0 : i32
    %add3A_237 = vector.broadcast %add3A_236 : i32 to vector<640x1024xi32>
    %add3A_238 = arith.addi %xor3A_232, %add3A_237 : vector<640x1024xi32>
    %add3A_239 = arith.constant 5 : i32
    %add3A_240 = vector.broadcast %add3A_239 : i32 to vector<640x1024xi32>
    %add3A_241 = arith.addi %add3A_238, %add3A_240 : vector<640x1024xi32>
    %xor3A_242 = arith.xori %add3A_235, %add3A_241 : vector<640x1024xi32>
    %shift_right_logical3A_243 = arith.constant 9 : i32
    %shift_right_logical3A_244 = vector.broadcast %shift_right_logical3A_243 : i32 to vector<640x1024xi32>
    %shift_right_logical3A_245 = arith.shrui %xor3A_242, %shift_right_logical3A_244 : vector<640x1024xi32>
    %or3A_246 = arith.constant 1065353216 : i32
    %or3A_247 = vector.broadcast %or3A_246 : i32 to vector<640x1024xi32>
    %or3A_248 = arith.ori %shift_right_logical3A_245, %or3A_247 : vector<640x1024xi32>
    %bitcast_convert_type3A = tpu.bitcast %or3A_248 : vector<640x1024xi32> -> vector<640x1024xf32>
    %sub3A = arith.constant 1.000000e+00 : f32
    %sub3A_249 = vector.broadcast %sub3A : f32 to vector<640x1024xf32>
    %sub3A_250 = arith.subf %bitcast_convert_type3A, %sub3A_249 : vector<640x1024xf32>
    %mul3A_251 = arith.constant 1.000000e+00 : f32
    %mul3A_252 = vector.broadcast %mul3A_251 : f32 to vector<640x1024xf32>
    %mul3A_253 = arith.mulf %sub3A_250, %mul3A_252 : vector<640x1024xf32>
    %add3A_254 = arith.constant 1.000000e-10 : f32
    %add3A_255 = vector.broadcast %add3A_254 : f32 to vector<640x1024xf32>
    %add3A_256 = arith.addf %mul3A_253, %add3A_255 : vector<640x1024xf32>
    %max3A = arith.constant 1.000000e-10 : f32
    %max3A_257 = vector.broadcast %max3A : f32 to vector<640x1024xf32>
    %max3A_258 = arith.maximumf %max3A_257, %add3A_256 : vector<640x1024xf32>
    %log3A = math.log %max3A_258 : vector<640x1024xf32>
    %neg3A = arith.constant 0.000000e+00 : f32
    %neg3A_259 = vector.broadcast %neg3A : f32 to vector<640x1024xf32>
    %neg3A_260 = arith.subf %neg3A_259, %log3A : vector<640x1024xf32>
    %log3A_261 = math.log %neg3A_260 : vector<640x1024xf32>
    %sub3A_262 = arith.subf %add3A, %log3A_261 : vector<640x1024xf32>
    %lt3A = arith.constant 320 : i32
    %lt3A_263 = vector.broadcast %lt3A : i32 to vector<640x1024xi32>
    %lt3A_264 = arith.cmpi slt, %iota3A, %lt3A_263 : vector<640x1024xi32>
    %jit3A = arith.constant 0xFF800000 : f32
    %broadcast_in_dim3A_265 = vector.broadcast %jit3A : f32 to vector<640x1024xf32>
    %select_n3A = arith.select %lt3A_264, %sub3A_262, %broadcast_in_dim3A_265 : vector<640x1024xi1>, vector<640x1024xf32>
    %reduce_max3A = arith.constant dense<0xFF800000> : vector<1024xf32>
    %reduce_max3A_266 = vector.multi_reduction <maximumf>, %select_n3A, %reduce_max3A [0] : vector<640x1024xf32> to vector<1024xf32>
    %broadcast_in_dim3A_267 = vector.shape_cast %reduce_max3A_266 : vector<1024xf32> to vector<1x1024xf32>
    %jit3A_268 = arith.constant 0xFF800000 : f32
    %broadcast_in_dim3A_269 = vector.broadcast %jit3A_268 : f32 to vector<640x1024xf32>
    %select_n3A_270 = arith.select %lt3A_264, %broadcast_in_dim3A_269, %sub3A_262 : vector<640x1024xi1>, vector<640x1024xf32>
    %reduce_max3A_271 = arith.constant dense<0xFF800000> : vector<1024xf32>
    %reduce_max3A_272 = vector.multi_reduction <maximumf>, %select_n3A_270, %reduce_max3A_271 [0] : vector<640x1024xf32> to vector<1024xf32>
    %broadcast_in_dim3A_273 = vector.shape_cast %reduce_max3A_272 : vector<1024xf32> to vector<1x1024xf32>
    %eq3A = vector.broadcast %broadcast_in_dim3A_267 : vector<1x1024xf32> to vector<640x1024xf32>
    %eq3A_274 = arith.cmpf oeq, %sub3A_262, %eq3A : vector<640x1024xf32>
    %and3A = arith.andi %lt3A_264, %eq3A_274 : vector<640x1024xi1>
    %jit3A_275 = arith.constant 640 : i32
    %broadcast_in_dim3A_276 = vector.broadcast %jit3A_275 : i32 to vector<640x1024xi32>
    %select_n3A_277 = arith.select %and3A, %iota3A, %broadcast_in_dim3A_276 : vector<640x1024xi1>, vector<640x1024xi32>
    %reduce_min3A = arith.constant dense<2147483647> : vector<1024xi32>
    %reduce_min3A_278 = vector.multi_reduction <minsi>, %select_n3A_277, %reduce_min3A [0] : vector<640x1024xi32> to vector<1024xi32>
    %broadcast_in_dim3A_279 = vector.shape_cast %reduce_min3A_278 : vector<1024xi32> to vector<1x1024xi32>
    %not3A = arith.constant dense<true> : vector<640x1024xi1>
    %not3A_280 = arith.xori %lt3A_264, %not3A : vector<640x1024xi1>
    %eq3A_281 = vector.broadcast %broadcast_in_dim3A_273 : vector<1x1024xf32> to vector<640x1024xf32>
    %eq3A_282 = arith.cmpf oeq, %sub3A_262, %eq3A_281 : vector<640x1024xf32>
    %and3A_283 = arith.andi %not3A_280, %eq3A_282 : vector<640x1024xi1>
    %jit3A_284 = arith.constant 640 : i32
    %broadcast_in_dim3A_285 = vector.broadcast %jit3A_284 : i32 to vector<640x1024xi32>
    %select_n3A_286 = arith.select %and3A_283, %iota3A, %broadcast_in_dim3A_285 : vector<640x1024xi1>, vector<640x1024xi32>
    %reduce_min3A_287 = arith.constant dense<2147483647> : vector<1024xi32>
    %reduce_min3A_288 = vector.multi_reduction <minsi>, %select_n3A_286, %reduce_min3A_287 [0] : vector<640x1024xi32> to vector<1024xi32>
    %broadcast_in_dim3A_289 = vector.shape_cast %reduce_min3A_288 : vector<1024xi32> to vector<1x1024xi32>
    %reshape3A = vector.shape_cast %broadcast_in_dim3A_279 : vector<1x1024xi32> to vector<1x8x128xi32>
    %swap3A = arith.constant 0 : index
    %swap3A_290 = arith.constant 0 : index
    %swap3A_291 = arith.constant 0 : index
    %swap3A_292 = vector.load %arg4[%swap3A, %swap3A_290, %swap3A_291] : memref<1x8x128xi32, #tpu.memory_space<vmem>>, vector<1x8x128xi32>
    tpu.vector_store %arg4[%swap3A, %swap3A_290, %swap3A_291], %reshape3A {strides = array<i32>} : memref<1x8x128xi32, #tpu.memory_space<vmem>>, vector<1x8x128xi32>,
    %reshape3A_293 = vector.shape_cast %broadcast_in_dim3A_289 : vector<1x1024xi32> to vector<1x8x128xi32>
    %swap3A_294 = arith.constant 0 : index
    %swap3A_295 = arith.constant 0 : index
    %swap3A_296 = arith.constant 0 : index
    %swap3A_297 = vector.load %arg5[%swap3A_294, %swap3A_295, %swap3A_296] : memref<1x8x128xi32, #tpu.memory_space<vmem>>, vector<1x8x128xi32>
    tpu.vector_store %arg5[%swap3A_294, %swap3A_295, %swap3A_296], %reshape3A_293 {strides = array<i32>} : memref<1x8x128xi32, #tpu.memory_space<vmem>>, vector<1x8x128xi32>,
    %jit3A_298 = arith.constant 0xFF800000 : f32
    %broadcast_in_dim3A_299 = vector.broadcast %jit3A_298 : f32 to vector<640x1024xf32>
    %select_n3A_300 = arith.select %lt3A_264, %add3A, %broadcast_in_dim3A_299 : vector<640x1024xi1>, vector<640x1024xf32>
    %reduce_max3A_301 = arith.constant dense<0xFF800000> : vector<1024xf32>
    %reduce_max3A_302 = vector.multi_reduction <maximumf>, %select_n3A_300, %reduce_max3A_301 [0] : vector<640x1024xf32> to vector<1024xf32>
    %broadcast_in_dim3A_303 = vector.shape_cast %reduce_max3A_302 : vector<1024xf32> to vector<1x1024xf32>
    %jit3A_304 = arith.constant 0xFF800000 : f32
    %broadcast_in_dim3A_305 = vector.broadcast %jit3A_304 : f32 to vector<640x1024xf32>
    %select_n3A_306 = arith.select %lt3A_264, %broadcast_in_dim3A_305, %add3A : vector<640x1024xi1>, vector<640x1024xf32>
    %reduce_max3A_307 = arith.constant dense<0xFF800000> : vector<1024xf32>
    %reduce_max3A_308 = vector.multi_reduction <maximumf>, %select_n3A_306, %reduce_max3A_307 [0] : vector<640x1024xf32> to vector<1024xf32>
    %broadcast_in_dim3A_309 = vector.shape_cast %reduce_max3A_308 : vector<1024xf32> to vector<1x1024xf32>
    %broadcast_in_dim3A_310 = vector.shape_cast %broadcast_in_dim3A_303 : vector<1x1024xf32> to vector<1x1024xf32>
    %broadcast_in_dim3A_311 = vector.broadcast %broadcast_in_dim3A_310 : vector<1x1024xf32> to vector<640x1024xf32>
    %broadcast_in_dim3A_312 = vector.shape_cast %broadcast_in_dim3A_309 : vector<1x1024xf32> to vector<1x1024xf32>
    %broadcast_in_dim3A_313 = vector.broadcast %broadcast_in_dim3A_312 : vector<1x1024xf32> to vector<640x1024xf32>
    %select_n3A_314 = arith.select %lt3A_264, %broadcast_in_dim3A_311, %broadcast_in_dim3A_313 : vector<640x1024xi1>, vector<640x1024xf32>
    %sub3A_315 = arith.subf %add3A, %select_n3A_314 : vector<640x1024xf32>
    %exp3A = math.exp %sub3A_315 : vector<640x1024xf32>
    %jit3A_316 = arith.constant 0.000000e+00 : f32
    %broadcast_in_dim3A_317 = vector.broadcast %jit3A_316 : f32 to vector<640x1024xf32>
    %select_n3A_318 = arith.select %lt3A_264, %exp3A, %broadcast_in_dim3A_317 : vector<640x1024xi1>, vector<640x1024xf32>
    %reduce_sum3A = arith.constant dense<0.000000e+00> : vector<1024xf32>
    %reduce_sum3A_319 = vector.multi_reduction <add>, %select_n3A_318, %reduce_sum3A [0] : vector<640x1024xf32> to vector<1024xf32>
    %broadcast_in_dim3A_320 = vector.shape_cast %reduce_sum3A_319 : vector<1024xf32> to vector<1x1024xf32>
    %jit3A_321 = arith.constant 0.000000e+00 : f32
    %broadcast_in_dim3A_322 = vector.broadcast %jit3A_321 : f32 to vector<640x1024xf32>
    %select_n3A_323 = arith.select %lt3A_264, %broadcast_in_dim3A_322, %exp3A : vector<640x1024xi1>, vector<640x1024xf32>
    %reduce_sum3A_324 = arith.constant dense<0.000000e+00> : vector<1024xf32>
    %reduce_sum3A_325 = vector.multi_reduction <add>, %select_n3A_323, %reduce_sum3A_324 [0] : vector<640x1024xf32> to vector<1024xf32>
    %broadcast_in_dim3A_326 = vector.shape_cast %reduce_sum3A_325 : vector<1024xf32> to vector<1x1024xf32>
    %broadcast_in_dim3A_327 = vector.shape_cast %broadcast_in_dim3A_320 : vector<1x1024xf32> to vector<1x1024xf32>
    %broadcast_in_dim3A_328 = vector.broadcast %broadcast_in_dim3A_327 : vector<1x1024xf32> to vector<640x1024xf32>
    %broadcast_in_dim3A_329 = vector.shape_cast %broadcast_in_dim3A_326 : vector<1x1024xf32> to vector<1x1024xf32>
    %broadcast_in_dim3A_330 = vector.broadcast %broadcast_in_dim3A_329 : vector<1x1024xf32> to vector<640x1024xf32>
    %select_n3A_331 = arith.select %lt3A_264, %broadcast_in_dim3A_328, %broadcast_in_dim3A_330 : vector<640x1024xi1>, vector<640x1024xf32>
    %div3A = arith.divf %exp3A, %select_n3A_331 : vector<640x1024xf32>
    %reduce_sum3A_332 = arith.constant dense<0.000000e+00> : vector<640xf32>
    %reduce_sum3A_333 = vector.multi_reduction <add>, %div3A, %reduce_sum3A_332 [1] : vector<640x1024xf32> to vector<640xf32>
    %broadcast_in_dim3A_334 = vector.shape_cast %reduce_sum3A_333 : vector<640xf32> to vector<640x1xf32>
    %eq3A_335 = arith.constant 0 : i32
    %eq3A_336 = arith.cmpi eq, %arg0, %eq3A_335 : i32
    %convert_element_type3A = arith.extui %eq3A_336 : i1 to i32
    %cond3A = arith.constant 0 : i32
    %cond3A_337 = arith.cmpi ne, %convert_element_type3A, %cond3A : i32
    scf.if %cond3A_337 {
      %broadcast_in_dim3A_352 = arith.constant 0.000000e+00 : f32
      %broadcast_in_dim3A_353 = vector.broadcast %broadcast_in_dim3A_352 : f32 to vector<640x128xf32>
      %swap3A_354 = arith.constant 0 : index
      %swap3A_355 = arith.constant 0 : index
      %swap3A_356 = vector.load %arg6[%swap3A_354, %swap3A_355] : memref<640x128xf32, #tpu.memory_space<vmem>>, vector<640x128xf32>
      tpu.vector_store %arg6[%swap3A_354, %swap3A_355], %broadcast_in_dim3A_353 {strides = array<i32>} : memref<640x128xf32, #tpu.memory_space<vmem>>, vector<640x128xf32>,
    } else {
    }
    %get3A_338 = arith.constant 0 : index
    %get3A_339 = arith.constant 0 : index
    %get3A_340 = vector.load %arg6[%get3A_338, %get3A_339] : memref<640x128xf32, #tpu.memory_space<vmem>>, vector<640x128xf32>
    %broadcast_in_dim3A_341 = vector.shape_cast %broadcast_in_dim3A_334 : vector<640x1xf32> to vector<640x1xf32>
    %broadcast_in_dim3A_342 = vector.broadcast %broadcast_in_dim3A_341 : vector<640x1xf32> to vector<640x128xf32>
    %add3A_343 = arith.addf %get3A_340, %broadcast_in_dim3A_342 : vector<640x128xf32>
    %swap3A_344 = arith.constant 0 : index
    %swap3A_345 = arith.constant 0 : index
    %swap3A_346 = vector.load %arg6[%swap3A_344, %swap3A_345] : memref<640x128xf32, #tpu.memory_space<vmem>>, vector<640x128xf32>
    tpu.vector_store %arg6[%swap3A_344, %swap3A_345], %add3A_343 {strides = array<i32>} : memref<640x128xf32, #tpu.memory_space<vmem>>, vector<640x128xf32>,
    %eq3A_347 = arith.constant 15 : i32
    %eq3A_348 = arith.cmpi eq, %arg0, %eq3A_347 : i32
    %convert_element_type3A_349 = arith.extui %eq3A_348 : i1 to i32
    %cond3A_350 = arith.constant 0 : i32
    %cond3A_351 = arith.cmpi ne, %convert_element_type3A_349, %cond3A_350 : i32
    scf.if %cond3A_351 {
      %get3A_352 = arith.constant 0 : index
      %get3A_353 = arith.constant 0 : index
      %get3A_354 = vector.load %arg6[%get3A_352, %get3A_353] : memref<640x128xf32, #tpu.memory_space<vmem>>, vector<640x128xf32>
      %div3A_355 = arith.constant 1.638400e+04 : f32
      %div3A_356 = vector.broadcast %div3A_355 : f32 to vector<640x128xf32>
      %div3A_357 = arith.divf %get3A_354, %div3A_356 : vector<640x128xf32>
      %add3A_358 = arith.constant 1.000000e-07 : f32
      %add3A_359 = vector.broadcast %add3A_358 : f32 to vector<640x128xf32>
      %add3A_360 = arith.addf %div3A_357, %add3A_359 : vector<640x128xf32>
      %log3A_361 = math.log %add3A_360 : vector<640x128xf32>
      %mul3A_362 = arith.mulf %div3A_357, %log3A_361 : vector<640x128xf32>
      %iota3A_363 = tpu.iota {dimensions = array<i32: 0>} : vector<640x128xi32>
      %lt3A_364 = arith.constant 320 : i32
      %lt3A_365 = vector.broadcast %lt3A_364 : i32 to vector<640x128xi32>
      %lt3A_366 = arith.cmpi slt, %iota3A_363, %lt3A_365 : vector<640x128xi32>
      %jit3A_367 = arith.constant 0.000000e+00 : f32
      %broadcast_in_dim3A_368 = vector.broadcast %jit3A_367 : f32 to vector<640x128xf32>
      %select_n3A_369 = arith.select %lt3A_366, %mul3A_362, %broadcast_in_dim3A_368 : vector<640x128xi1>, vector<640x128xf32>
      %reduce_sum3A_370 = arith.constant dense<0.000000e+00> : vector<128xf32>
      %reduce_sum3A_371 = vector.multi_reduction <add>, %select_n3A_369, %reduce_sum3A_370 [0] : vector<640x128xf32> to vector<128xf32>
      %broadcast_in_dim3A_372 = vector.shape_cast %reduce_sum3A_371 : vector<128xf32> to vector<1x128xf32>
      %neg3A_373 = arith.constant 0.000000e+00 : f32
      %neg3A_374 = vector.broadcast %neg3A_373 : f32 to vector<1x128xf32>
      %neg3A_375 = arith.subf %neg3A_374, %broadcast_in_dim3A_372 : vector<1x128xf32>
      %exp3A_376 = math.exp %neg3A_375 : vector<1x128xf32>
      %jit3A_377 = arith.constant 0.000000e+00 : f32
      %broadcast_in_dim3A_378 = vector.broadcast %jit3A_377 : f32 to vector<640x128xf32>
      %select_n3A_379 = arith.select %lt3A_366, %broadcast_in_dim3A_378, %mul3A_362 : vector<640x128xi1>, vector<640x128xf32>
      %reduce_sum3A_380 = arith.constant dense<0.000000e+00> : vector<128xf32>
      %reduce_sum3A_381 = vector.multi_reduction <add>, %select_n3A_379, %reduce_sum3A_380 [0] : vector<640x128xf32> to vector<128xf32>
      %broadcast_in_dim3A_382 = vector.shape_cast %reduce_sum3A_381 : vector<128xf32> to vector<1x128xf32>
      %neg3A_383 = arith.constant 0.000000e+00 : f32
      %neg3A_384 = vector.broadcast %neg3A_383 : f32 to vector<1x128xf32>
      %neg3A_385 = arith.subf %neg3A_384, %broadcast_in_dim3A_382 : vector<1x128xf32>
      %exp3A_386 = math.exp %neg3A_385 : vector<1x128xf32>
      %add3A_387 = arith.addf %exp3A_376, %exp3A_386 : vector<1x128xf32>
      %swap3A_388 = arith.constant 0 : index
      %swap3A_389 = arith.constant 0 : index
      %swap3A_390 = vector.load %arg7[%swap3A_388, %swap3A_389] : memref<1x128xf32, #tpu.memory_space<vmem>>, vector<1x128xf32>
      tpu.vector_store %arg7[%swap3A_388, %swap3A_389], %add3A_387 {strides = array<i32>} : memref<1x128xf32, #tpu.memory_space<vmem>>, vector<1x128xf32>,
    } else {
    }
    return
  }
  func.func @transform_0(%arg0: i32) -> (i32, i32) {
    %c0_i32 = arith.constant 0 : i32
    %c0_i32_0 = arith.constant 0 : i32
    %c0_i32_1 = arith.constant 0 : i32
    return %c0_i32, %c0_i32_0 : i32, i32
  }
  func.func @transform_1(%arg0: i32) -> (i32, i32) {
    %c0_i32 = arith.constant 0 : i32
    %c0_i32_0 = arith.constant 0 : i32
    return %arg0, %c0_i32 : i32, i32
  }
  func.func @transform_2(%arg0: i32) -> (i32, i32) {
    %c0_i32 = arith.constant 0 : i32
    %c0_i32_0 = arith.constant 0 : i32
    %c0_i32_1 = arith.constant 0 : i32
    return %c0_i32, %c0_i32_0 : i32, i32
  }
  func.func @transform_3(%arg0: i32) -> (i32, i32, i32) {
    %c0_i32 = arith.constant 0 : i32
    %c0_i32_0 = arith.constant 0 : i32
    %c0_i32_1 = arith.constant 0 : i32
    return %arg0, %c0_i32, %c0_i32_0 : i32, i32, i32
  }
  func.func @transform_4(%arg0: i32) -> (i32, i32, i32) {
    %c0_i32 = arith.constant 0 : i32
    %c0_i32_0 = arith.constant 0 : i32
    %c0_i32_1 = arith.constant 0 : i32
    return %arg0, %c0_i32, %c0_i32_0 : i32, i32, i32
  }
  func.func @transform_5(%arg0: i32) -> (i32, i32) {
    %c0_i32 = arith.constant 0 : i32
    %c0_i32_0 = arith.constant 0 : i32
    %c0_i32_1 = arith.constant 0 : i32
    return %c0_i32, %c0_i32_0 : i32, i32
  }
  func.func @transform_6(%arg0: i32) -> (i32, i32) {
    %c0_i32 = arith.constant 0 : i32
    %c0_i32_0 = arith.constant 0 : i32
    %c0_i32_1 = arith.constant 0 : i32
    return %c0_i32, %c0_i32_0 : i32, i32
  }
}

</mosaic_0001>

<sc_bundles>
// kernel: kernel.4.cloned.1.call-start
scs
__scs_entry_jumppad:
0x0: {  	(pc) =	sbr.rel $0x88, $3  }
0x1: {  	(tag) =	ssettag $0x0;
	lr =	simm.s32 $0x1  }
0x2: {  	[smem:$0x3F9D] =	sst lr;
	_ =	strace $0xD0000000  }
0x3: {  	_ = 	snop  }
0x4: {  	_ = 	snop  }
0x5: {  	_ = 	snop  }
0x6: {  	_ = 	snop  }
0x7: {  	_ = 	snop  }
__scs_overlays_trampoline_lowered:
0x8: {  	[smem:$0x3FAC] =	sst s0  }
0x9: {  	[smem:$0x3FAD] =	sst s1  }
0xa: {  	[smem:$0x3FAE] =	sst s2  }
0xb: {  	[smem:$0x3FAF] =	sst s3  }
0xc: {  	[smem:$0x3FB0] =	sst s4  }
0xd: {  	[smem:$0x3FB1] =	sst s5  }
0xe: {  	[smem:$0x3FB2] =	sst s6  }
0xf: {  	[smem:$0x3FB3] =	sst s7  }
0x10: {  	[smem:$0x3FB4] =	sst s8  }
0x11: {  	[smem:$0x3FB5] =	sst s9;
	s0 =	simm.s32 @!p0 $0x0  }
0x12: {  	s1 =	sld [smem:$0x3F9B];
	s0 =	simm.s32 @p0 $0x1  }
0x13: {  	[smem:$0x3FB6] =	sst s0;
	s0 =	simm.s32 @!p1 $0x0  }
0x14: {  	s2 =	sld [smem:$0x3F9A];
	s0 =	simm.s32 @p1 $0x1  }
0x15: {  	[smem:$0x3FB7] =	sst s0;
	s0 =	simm.s32 @!p2 $0x0  }
0x16: {  	s3 =	sld [smem:$0x3FDB];
	s0 =	simm.s32 @p2 $0x1  }
0x17: {  	s4 =	simm.s32 $0x1BF5;
	[smem:$0x3FB9] =	sst s0  }
0x18: {  	s0 =	sld [smem:$0x3F9C];
	_ =	swait.ge [sflag:s4], $0x0  }
0x19: {  	s7 =	sld [smem:$0x3F9D]  }
0x1a: {  	s8 =	sadd.s32 $0xFFFFE003, lr  }
0x1b: {  	s9 =	sadd.s32 $0xFFFFFEF7, lr;
	s5 =	simm.s32 $0xFFFFFFFF;
	p2 =	slt.u32 s8, $0xFFFFF086  }
0x1c: {  	p1 =	slt.u32 s9, $0xF7A;
	s5 =	simm.s32 @!p2 $0x0  }
0x1d: {  	s5 =	simm.s32 @p1 $0x1;
	p0 =	seq.s32 s7, s2  }
0x1e: {  	s7 =	smul.u32 @!p0 $0xF7A, s2;
	p2 =	seq.s32 @!p0 s5, $0x0  }
0x1f: {  	s9 =	smul.u32 $0xF7A, s1;
	s8 =	simm.s32 @!p0 $0x1BF5;
	p2 =	por !p2, p0  }
0x20: {  	[sflag:s8] =	ssyncset.s32 @!p0 $0xFFFFF086;
	s6 =	sadd.s32 @!p0 s3, s7;
	s7 =	simm.s32 @!p0 $0x108  }
0x21: {  	s3 =	sadd.s32 s3, s9;
	s6 =	sadd.s32 @!p0 $0x88, s6;
	s7 =	simm.s32 @p2 $0x1082  }
0x22: {  	[simem:s7], [sflag:s8] =	dma.local @!p0 [hbm:s6], $0xF7A  }
0x23: {  	s9 =	sor.u32 $0xD0000000, s2;
	s6 =	simm.s32 $0x108;
	_ =	swait.ge @!p0 [sflag:s8], $0x0  }
0x24: {  	s3 =	sadd.s32 $0x88, s3;
	s6 =	simm.s32 @!p1 $0x1082;
	[sflag:s4] =	ssyncset.s32 $0xFFFFF086  }
0x25: {  	[simem:s6], [sflag:s4] =	dma.local [hbm:s3], $0xF7A  }
0x26: {  	[smem:$0x3F9D] =	sst s1;
	(tag) =	ssettag s2;
	_ =	strace s9  }
0x27: {  	s1 =	sld [smem:$0x3FAD]  }
0x28: {  	s2 =	sld [smem:$0x3FAE]  }
0x29: {  	s4 =	sld [smem:$0x3FB0]  }
0x2a: {  	p0 =	seq.s32 s5, $0x0;
	s5 =	sld [smem:$0x3FB1]  }
0x2b: {  	s6 =	sld [smem:$0x3FB2]  }
0x2c: {  	s7 =	sld [smem:$0x3FB3]  }
0x2d: {  	s3 =	simm.s32 $0x108;
	s8 =	sld [smem:$0x3FB4]  }
0x2e: {  	s3 =	simm.s32 @!p0 $0x1082;
	s9 =	sld [smem:$0x3FB5]  }
0x2f: {  	lr =	sadd.s32 s0, s3;
	s0 =	sld [smem:$0x3FAC]  }
0x30: {  	s3 =	sld [smem:$0x3FAF]  }
0x31: {  	[smem:$0x3FB8] =	sst s10  }
0x32: {  	s10 =	sld [smem:$0x3FB6];
	_ =	sdelay $0x3  }
0x33: {  	p0 =	seq.s32 s10, $0x1;
	s10 =	sld [smem:$0x3FB8];
	_ =	sdelay $0x3  }
0x34: {  	[smem:$0x3FB8] =	sst s10  }
0x35: {  	s10 =	sld [smem:$0x3FB7];
	_ =	sdelay $0x3  }
0x36: {  	p1 =	seq.s32 s10, $0x1;
	s10 =	sld [smem:$0x3FB8];
	_ =	sdelay $0x3  }
0x37: {  	[smem:$0x3FB8] =	sst s10  }
0x38: {  	s10 =	sld [smem:$0x3FB9]  }
0x39: {  	_ = 	snop;
	(pc) =	sbr.ind lr, $3  }
0x3a: {  	_ = 	snop  }
0x3b: {  	_ = 	snop  }
0x3c: {  	p2 =	seq.s32 s10, $0x1;
	s10 =	sld [smem:$0x3FB8]  }
0x3d: {  	_ =	shalt  }
0x3e: {  	_ =	shalt  }
0x3f: {  	_ =	shalt  }
0x40: {  	_ =	shalt  }
0x41: {  	_ =	shalt  }
0x42: {  	_ =	shalt  }
0x43: {  	_ =	shalt  }
0x44: {  	_ =	shalt  }
0x45: {  	_ =	shalt  }
0x46: {  	_ =	shalt  }
0x47: {  	_ =	shalt  }
0x48: {  	_ =	shalt  }
0x49: {  	_ =	shalt  }
0x4a: {  	_ =	shalt  }
0x4b: {  	_ =	shalt  }
0x4c: {  	_ =	shalt  }
0x4d: {  	_ =	shalt  }
0x4e: {  	_ =	shalt  }
0x4f: {  	_ =	shalt  }
0x50: {  	_ =	shalt  }
0x51: {  	_ =	shalt  }
0x52: {  	_ =	shalt  }
0x53: {  	_ =	shalt  }
0x54: {  	_ =	shalt  }
0x55: {  	_ =	shalt  }
0x56: {  	_ =	shalt  }
0x57: {  	_ =	shalt  }
0x58: {  	_ =	shalt  }
0x59: {  	_ =	shalt  }
0x5a: {  	_ =	shalt  }
0x5b: {  	_ =	shalt  }
0x5c: {  	_ =	shalt  }
0x5d: {  	_ =	shalt  }
0x5e: {  	_ =	shalt  }
0x5f: {  	_ =	shalt  }
0x60: {  	_ =	shalt  }
0x61: {  	_ =	shalt  }
0x62: {  	_ =	shalt  }
0x63: {  	_ =	shalt  }
0x64: {  	_ =	shalt  }
0x65: {  	_ =	shalt  }
0x66: {  	_ =	shalt  }
0x67: {  	_ =	shalt  }
0x68: {  	_ =	shalt  }
0x69: {  	_ =	shalt  }
0x6a: {  	_ =	shalt  }
0x6b: {  	_ =	shalt  }
0x6c: {  	_ =	shalt  }
0x6d: {  	_ =	shalt  }
0x6e: {  	_ =	shalt  }
0x6f: {  	_ =	shalt  }
0x70: {  	_ =	shalt  }
0x71: {  	_ =	shalt  }
0x72: {  	_ =	shalt  }
0x73: {  	_ =	shalt  }
0x74: {  	_ =	shalt  }
0x75: {  	_ =	shalt  }
0x76: {  	_ =	shalt  }
0x77: {  	_ =	shalt  }
0x78: {  	_ =	shalt  }
0x79: {  	_ =	shalt  }
0x7a: {  	_ =	shalt  }
0x7b: {  	_ =	shalt  }
0x7c: {  	_ =	shalt  }
0x7d: {  	_ =	shalt  }
0x7e: {  	_ =	shalt  }
0x7f: {  	_ =	shalt  }
0x80: {  	_ =	shalt  }
0x81: {  	_ =	shalt  }
0x82: {  	_ =	shalt  }
0x83: {  	_ =	shalt  }
0x84: {  	_ =	shalt  }
0x85: {  	_ =	shalt  }
0x86: {  	_ =	shalt  }
0x87: {  	_ =	shalt  }
.Lfunc_end0:
.L_simem_size_0:
called_computation_lowered:
.L_overlay_start_0:
0x88: {  	s2 =	sld [smem:$0x3FD9]  }
0x89: {  	s3 =	sld [smem:$0x3FFE];
	_ =	sdelay $0x1  }
0x8a: {  	s1 =	srdreg.scid  }
0x8b: {  	s0 =	sand.u32 $0x1, s1  }
0x8c: {  	s14 =	sshll.u32 s0, $0xA;
	s2 =	sadd.s32 s3, s2  }
0x8d: {  	s2 =	sadd.s32 s2, s14  }
0x8e: {  	[smem:$0x3FC4] =	sst s2  }
0x8f: {  	_ = 	snop  }
0x90: {  	s2 =	sld [smem:$0x3FD0];
	_ =	sdelay $0x2  }
0x91: {  	s4 =	simm.s32 $0xA;
	s5 =	simm.s32 $0x10;
	s15 =	sld [smem:$0x3FC6]  }
0x92: {  	[smem:s5], [sflag:s4] =	dma.local [hbm:s2], $0x1  }
0x93: {  	_ =	swait.eq [sflag:s4], $0x1  }
0x94: {  	[sflag:s4] =	ssyncset.done $0x0  }
0x95: {  	[sflag:s4] =	ssyncadd.s32 $0xFFFFFFFF  }
0x96: {  	s16 =	sld [smem:$0x10];
	(tm) =	ssettm $0x1  }
0x97: {  	s17 =	sld [smem:$0x3FFB];
	_ =	sdelay $0x3  }
0x98: {  	_ =	strace s17  }
0x99: {  	s4 =	sld [smem:$0x3FFC];
	_ =	sdelay $0x3  }
0x9a: {  	_ =	strace s4  }
0x9b: {  	s4 =	sld [smem:$0x3FFD];
	_ =	sdelay $0x3  }
0x9c: {  	_ =	strace s4  }
0x9d: {  	_ =	strace $0x8FFFFFFF  }
0x9e: {  	s18 =	sld [smem:$0x3FDB];
	_ =	sdelay $0x1  }
0x9f: {  	s19 =	simm.s32 $_scs_section_size  }
0xa0: {  	s6 =	simm.s32 $_size__tile_overlayer_lowered;
	s7 =	simm.s32 $_tile_overlayer_lowered  }
0xa1: {  	s22 =	simm.s32 $0x1BFF;
	s21 =	sshll.u32 s7, $0x1;
	s4 =	sadd.s32 s19, s18  }
0xa2: {  	s8 =	simm.s32 $0x0;
	s20 =	sshll.u32 s6, $0x1;
	s6 =	sadd.s32 s21, s4  }
0xa3: {  	[timem:s8], [sflag:s22] =	dma.local [hbm:s6], s20  }
0xa4: {  	_ =	swait.ge [sflag:s22], s20  }
0xa5: {  	s5 =	ssub.s32 $0x0, s20;
	[sflag:s22] =	ssyncset.done $0x0  }
0xa6: {  	[sflag:s22] =	ssyncadd.s32 s5;
	_ =	sdelay $0x1  }
0xa7: {  	s23 =	simm.s32 $0x1B8B  }
0xa8: {  	_ =	swait.ge [sflag:s23], $0x1  }
0xa9: {  	[sflag:s23] =	ssyncset.done $0x0  }
0xaa: {  	s25 =	simm.s32 $0x1B8E;
	s24 =	sld [smem:$0x3FFE];
	[sflag:s23] =	ssyncadd.s32 $0xFFFFFFFF  }
0xab: {  	s26 =	simm.s32 $execute0_lowered;
	[smem:$0x3FD2] =	sst s25  }
0xac: {  	s6 =	sshll.u32 s26, $0x1;
	_ =	strace $0x80000046;
	[dreg:$0x1] =	wrdreg $0xFFFFFFFF  }
0xad: {  	s28 =	simm.s32 $_size_execute0_lowered;
	s4 =	sadd.s32 s4, s6;
	[dreg:$0x0] =	wrdreg $0x0  }
0xae: {  	s6 =	sshll.u32 s28, $0x1;
	[dreg:$0x2] =	wrdreg s4  }
0xaf: {  	[dreg:$0x3] =	wrdreg s6  }
0xb0: {  	[dreg:$0x4] =	wrdreg $0xC0  }
0xb1: {  	_ =	task [dreg:s8], $0x5FFFF  }
0xb2: {  	[dreg:$0x1] =	wrdreg $0xFFFFFFFF  }
0xb3: {  	[dreg:$0x0] =	wrdreg $0x60  }
0xb4: {  	[dreg:$0x2] =	wrdreg s15  }
0xb5: {  	[dreg:$0x3] =	wrdreg s24  }
0xb6: {  	[dreg:$0x4] =	wrdreg s16  }
0xb7: {  	[dreg:$0x5] =	wrdreg $0x9  }
0xb8: {  	_ =	task.clear_ibuf [dreg:s8], $0x6FFFF;
	_ =	strace $0x90000046  }
0xb9: {  	s29 =	simm.s32 $0x9;
	_ =	strace $0x80000048  }
0xba: {  	_ =	swait.ge [sflag:s29], $0x1  }
0xbb: {  	[sflag:s29] =	ssyncadd.s32 $0xFFFFFFFF  }
0xbc: {  	_ =	strace $0x90000048  }
0xbd: {  	_ =	sfence  }
0xbe: {  	s30 =	sld [smem:$0x0];
	_ =	sdelay $0x2  }
0xbf: {  	s31 =	sshll.u32 s1, $0xD;
	s1 =	sshrl.u32 s1, $0x2  }
0xc0: {  	s3 =	sand.u32 $0x4000, s31;
	s1 =	sadd.s32 s1, s30  }
0xc1: {  	s0 =	sor.u32 s3, s0;
	s1 =	sshll.u32 s1, $0x11  }
0xc2: {  	s0 =	sor.u32 s1, s0  }
0xc3: {  	s0 =	sadd.s32 $0x8F2B, s0  }
0xc4: {  	[sflag:s0] =	ssyncadd.remote.s32 $0x1  }
0xc5: {  	_ =	sfence.sel $0xFFFF  }
0xc6: {  	[dreg:$0x0] =	wrdreg $0xFFFFFFFF;
	(pc) =	sbr.abs _section_cstart, $3  }
0xc7: {  	[dreg:$0x1] =	wrdreg $0xFFFFFFFF  }
0xc8: {  	_ =	task.clear_ibuf [dreg:s8], $0x2FFFF;
	_ =	strace $0x9FFFFFFF  }
0xc9: {  	(tm) =	ssettm $0x7FFFFFFF  }
tec
execute0_lowered:
.L_overlay_start_1:
0x0: {  	(tag) =	ssettag $0x1  }
0x1: {  	s1 =	srdreg.scid;
	s0 =	stileid.u32  }
0x2: {  	s1 =	sand.u32 $0x1, s1;
	s2 =	sshll.u32 s0, $0x1  }
0x3: {  	s8 =	sor.u32 s1, s2  }
0x4: {  	p1 =	seq.s32 s1, $0x1;
	p0 =	seq.s32 s8, $0x0  }
0x5: {  	p0 =	por !p0, !p1  }
0x6: {  	s3 =	simm.s32 $0x1;
	p0 =	por !p0, !p0  }
0x7: {  	s3 =	simm.s32 @!p0 $0x0  }
0x8: {  	s3 =	ssub.s32 s0, s3  }
0x9: {  	s5 =	sshll.u32 s1, $0x9;
	s3 =	sshll.u32 s3, $0xA  }
0xa: {  	s4 =	rddreg [dreg:$0x1];
	s5 =	sor.u32 s5, s3  }
0xb: {  	s10 =	rddreg [dreg:$0x2];
	s5 =	sshrl.u32 s5, $0x3  }
0xc: {  	s2 =	rddreg [dreg:$0x0];
	s3 =	simm.s32 $0x0;
	s4 =	sadd.s32 s5, s4  }
0xd: {  	[smem:$0x7FF] =	sst s3;
	s5 =	sadd.s32 $0xC00, s4  }
0xe: {  	_ =	strace $0x80000047;
	s4 =	sadd.s32 $0x1400, s4;
	[dreg:$0x4] =	wrdreg s5  }
0xf: {  	[dreg:$0x5] =	wrdreg s4  }
0x10: {  	s5 =	simm.s32 $0x10000;
	s4 =	simm.s32 $0x5;
	s6 =	rddreg [dreg:$0x4]  }
0x11: {  	[tilespmem:s5], [sflag:$0x5] =	stream.linear.gather [hbm4b:s6+s3], $0x200, $0x38;
	[tilespmem:$0x10400] =	vst v63  }
0x12: {  	_ =	swait.ge [sflag:s4], $0x200  }
0x13: {  	[sflag:s4] =	ssyncset.done $0x0  }
0x14: {  	s6 =	simm.s32 $0x10200;
	s7 =	rddreg [dreg:$0x5];
	[sflag:s4] =	ssyncadd.s32 $0xFFFFFE00  }
0x15: {  	[tilespmem:s6], [sflag:$0x5] =	stream.linear.gather [hbm4b:s7+s3], $0x200, $0x38;
	[tilespmem:$0x10400] =	vst v63  }
0x16: {  	_ =	swait.ge [sflag:s4], $0x200  }
0x17: {  	s11 =	sshll.u32 s0, $0xF;
	[sflag:s4] =	ssyncset.done $0x0  }
0x18: {  	s9 =	sshll.u32 s8, $0xE;
	s8 =	simm.s32 $0x80;
	[sflag:s4] =	ssyncadd.s32 $0xFFFFFE00  }
0x19: {  	[tilespmem:s3], [sflag:$0x1] =	stream.indirect.gather [hbm4b:s2+s8], $0x80, s5, s8, $0xb8;
	[tilespmem:$0x10400] =	vst v63  }
0x1a: {  	s12 =	sand.u32 $0xC000, s9;
	s9 =	simm.s32 $0x8000;
	s7 =	simm.s32 $0x1  }
0x1b: {  	[tilespmem:s9], [sflag:$0x3] =	stream.indirect.gather [hbm4b:s2+s8], $0x80, s6, s8, $0xb8;
	[tilespmem:$0x10400] =	vst v63  }
0x1c: {  	s11 =	sand.u32 $0x70000, s11;
	_ =	swait.ge [sflag:s7], $0x4000  }
0x1d: {  	s11 =	sor.u32 s11, s12;
	s12 =	simm.s32 $0x800;
	[sflag:s7] =	ssyncset.done $0x0  }
0x1e: {  	s10 =	sadd.s32 s10, s11;
	s11 =	simm.s32 $0x400;
	[sflag:s7] =	ssyncadd.s32 $0xFFFFC000  }
0x1f: {  	[hbm4b:s10+s11] =	stream.strided.scatter [tilespmem:s3], [sflag:$0x5], $0x4000, s12, s11, $0x38;
	[tilespmem:$0x10400] =	vst v63  }
0x20: {  	_ =	swait.ge [sflag:s4], $0x4000  }
0x21: {  	[sflag:s4] =	ssyncset.done $0x0  }
0x22: {  	s13 =	simm.s32 $0x3;
	[sflag:s4] =	ssyncadd.s32 $0xFFFFC000  }
0x23: {  	_ =	swait.ge [sflag:s13], $0x4000  }
0x24: {  	[sflag:s13] =	ssyncset.done $0x0  }
0x25: {  	s14 =	sadd.s32 $0x80, s10;
	[sflag:s13] =	ssyncadd.s32 $0xFFFFC000  }
0x26: {  	[hbm4b:s14+s11] =	stream.strided.scatter [tilespmem:s9], [sflag:$0x5], $0x4000, s12, s11, $0x38;
	[tilespmem:$0x10400] =	vst v63  }
0x27: {  	_ =	swait.ge [sflag:s4], $0x4000  }
0x28: {  	[sflag:s4] =	ssyncset.done $0x0  }
0x29: {  	s15 =	simm.s32 $0x10080;
	s16 =	simm.s32 $0x4000;
	[sflag:s4] =	ssyncadd.s32 $0xFFFFC000  }
0x2a: {  	[tilespmem:s16], [sflag:$0x2] =	stream.indirect.gather [hbm4b:s2+s8], $0x80, s15, s8, $0xb8;
	[tilespmem:$0x10400] =	vst v63  }
0x2b: {  	s17 =	simm.s32 $0x10280;
	s18 =	simm.s32 $0xC000;
	s19 =	simm.s32 $0x2  }
0x2c: {  	[tilespmem:s18], [sflag:$0x4] =	stream.indirect.gather [hbm4b:s2+s8], $0x80, s17, s8, $0xb8;
	[tilespmem:$0x10400] =	vst v63  }
0x2d: {  	_ =	swait.ge [sflag:s19], $0x4000  }
0x2e: {  	[sflag:s19] =	ssyncset.done $0x0  }
0x2f: {  	s20 =	sadd.s32 $0x1000, s10;
	[sflag:s19] =	ssyncadd.s32 $0xFFFFC000  }
0x30: {  	[hbm4b:s20+s11] =	stream.strided.scatter [tilespmem:s16], [sflag:$0x5], $0x4000, s12, s11, $0x38;
	[tilespmem:$0x10400] =	vst v63  }
0x31: {  	_ =	swait.ge [sflag:s4], $0x4000  }
0x32: {  	[sflag:s4] =	ssyncset.done $0x0  }
0x33: {  	s21 =	simm.s32 $0x4;
	[sflag:s4] =	ssyncadd.s32 $0xFFFFC000  }
0x34: {  	_ =	swait.ge [sflag:s21], $0x4000  }
0x35: {  	[sflag:s21] =	ssyncset.done $0x0  }
0x36: {  	s22 =	sadd.s32 $0x80, s20;
	[sflag:s21] =	ssyncadd.s32 $0xFFFFC000  }
0x37: {  	[hbm4b:s22+s11] =	stream.strided.scatter [tilespmem:s18], [sflag:$0x5], $0x4000, s12, s11, $0x38;
	[tilespmem:$0x10400] =	vst v63  }
0x38: {  	_ =	swait.ge [sflag:s4], $0x4000  }
0x39: {  	[sflag:s4] =	ssyncset.done $0x0  }
0x3a: {  	s23 =	simm.s32 $0x10100;
	[sflag:s4] =	ssyncadd.s32 $0xFFFFC000  }
0x3b: {  	[tilespmem:s3], [sflag:$0x1] =	stream.indirect.gather [hbm4b:s2+s8], $0x80, s23, s8, $0xb8;
	[tilespmem:$0x10400] =	vst v63  }
0x3c: {  	s24 =	simm.s32 $0x10300  }
0x3d: {  	[tilespmem:s9], [sflag:$0x3] =	stream.indirect.gather [hbm4b:s2+s8], $0x80, s24, s8, $0xb8;
	[tilespmem:$0x10400] =	vst v63  }
0x3e: {  	_ =	swait.ge [sflag:s7], $0x4000  }
0x3f: {  	[sflag:s7] =	ssyncset.done $0x0  }
0x40: {  	s25 =	sadd.s32 $0x2000, s10;
	[sflag:s7] =	ssyncadd.s32 $0xFFFFC000  }
0x41: {  	[hbm4b:s25+s11] =	stream.strided.scatter [tilespmem:s3], [sflag:$0x5], $0x4000, s12, s11, $0x38;
	[tilespmem:$0x10400] =	vst v63  }
0x42: {  	_ =	swait.ge [sflag:s4], $0x4000  }
0x43: {  	[sflag:s4] =	ssyncset.done $0x0  }
0x44: {  	[sflag:s4] =	ssyncadd.s32 $0xFFFFC000  }
0x45: {  	_ =	swait.ge [sflag:s13], $0x4000  }
0x46: {  	[sflag:s13] =	ssyncset.done $0x0  }
0x47: {  	s26 =	sadd.s32 $0x80, s25;
	[sflag:s13] =	ssyncadd.s32 $0xFFFFC000  }
0x48: {  	[hbm4b:s26+s11] =	stream.strided.scatter [tilespmem:s9], [sflag:$0x5], $0x4000, s12, s11, $0x38;
	[tilespmem:$0x10400] =	vst v63  }
0x49: {  	_ =	swait.ge [sflag:s4], $0x4000  }
0x4a: {  	[sflag:s4] =	ssyncset.done $0x0  }
0x4b: {  	s28 =	simm.s32 $0x10180;
	[sflag:s4] =	ssyncadd.s32 $0xFFFFC000  }
0x4c: {  	[tilespmem:s16], [sflag:$0x2] =	stream.indirect.gather [hbm4b:s2+s8], $0x80, s28, s8, $0xb8;
	[tilespmem:$0x10400] =	vst v63  }
0x4d: {  	s29 =	simm.s32 $0x10380  }
0x4e: {  	[tilespmem:s18], [sflag:$0x4] =	stream.indirect.gather [hbm4b:s2+s8], $0x80, s29, s8, $0xb8;
	[tilespmem:$0x10400] =	vst v63  }
0x4f: {  	_ =	swait.ge [sflag:s19], $0x4000  }
0x50: {  	s1 =	ssub.s32 $0x2, s1;
	[sflag:s19] =	ssyncset.done $0x0  }
0x51: {  	s31 =	sshrl.u32 s1, $0x1;
	s30 =	sadd.s32 $0x3000, s10;
	[sflag:s19] =	ssyncadd.s32 $0xFFFFC000  }
0x52: {  	[hbm4b:s30+s11] =	stream.strided.scatter [tilespmem:s16], [sflag:$0x5], $0x4000, s12, s11, $0x38;
	[tilespmem:$0x10400] =	vst v63  }
0x53: {  	s1 =	ssub.s32 s1, s31;
	_ =	swait.ge [sflag:s4], $0x4000  }
0x54: {  	s1 =	smax.u32 s1, $0x1;
	[sflag:s4] =	ssyncset.done $0x0  }
0x55: {  	p0 =	sne.s32 s1, $0x1;
	[sflag:s4] =	ssyncadd.s32 $0xFFFFC000  }
.Ltmp0:
0x56: {  	_ =	swait.ge [sflag:s21], $0x4000;
	(pc) =	sbr.rel @!p0 .LBB2_2-.Ltmp0, $4  }
0x57: {  	[sflag:s21] =	ssyncset.done $0x0  }
0x58: {  	s31 =	sadd.s32 $0x80, s30;
	[sflag:s21] =	ssyncadd.s32 $0xFFFFC000  }
0x59: {  	[hbm4b:s31+s11] =	stream.strided.scatter [tilespmem:s18], [sflag:$0x5], $0x4000, s12, s11, $0x38;
	[tilespmem:$0x10400] =	vst v63  }
0x5a: {  	s1 =	sadd.s32 $0xFFFFFFFF, s1;
	_ =	swait.ge [sflag:s4], $0x4000  }
.LBB2_1:
0x5b: {  	[sflag:s4] =	ssyncset.done $0x0  }
0x5c: {  	s0 =	rddreg [dreg:$0x4];
	[sflag:s4] =	ssyncadd.s32 $0xFFFFC000  }
0x5d: {  	[tilespmem:s5], [sflag:$0x5] =	stream.linear.gather [hbm4b:s0+s3], $0x200, $0x38;
	[tilespmem:$0x10400] =	vst v63  }
0x5e: {  	_ =	swait.ge [sflag:s4], $0x200  }
0x5f: {  	[sflag:s4] =	ssyncset.done $0x0  }
0x60: {  	s0 =	rddreg [dreg:$0x5];
	[sflag:s4] =	ssyncadd.s32 $0xFFFFFE00  }
0x61: {  	[tilespmem:s6], [sflag:$0x5] =	stream.linear.gather [hbm4b:s0+s3], $0x200, $0x38;
	[tilespmem:$0x10400] =	vst v63  }
0x62: {  	_ =	swait.ge [sflag:s4], $0x200  }
0x63: {  	[sflag:s4] =	ssyncset.done $0x0  }
0x64: {  	[sflag:s4] =	ssyncadd.s32 $0xFFFFFE00  }
0x65: {  	[tilespmem:s3], [sflag:$0x1] =	stream.indirect.gather [hbm4b:s2+s8], $0x80, s5, s8, $0xb8;
	[tilespmem:$0x10400] =	vst v63  }
0x66: {  	_ = 	snop  }
0x67: {  	[tilespmem:s9], [sflag:$0x3] =	stream.indirect.gather [hbm4b:s2+s8], $0x80, s6, s8, $0xb8;
	[tilespmem:$0x10400] =	vst v63  }
0x68: {  	_ =	swait.ge [sflag:s7], $0x4000  }
0x69: {  	[sflag:s7] =	ssyncset.done $0x0  }
0x6a: {  	[sflag:s7] =	ssyncadd.s32 $0xFFFFC000  }
0x6b: {  	[hbm4b:s10+s11] =	stream.strided.scatter [tilespmem:s3], [sflag:$0x5], $0x4000, s12, s11, $0x38;
	[tilespmem:$0x10400] =	vst v63  }
0x6c: {  	_ =	swait.ge [sflag:s4], $0x4000  }
0x6d: {  	[sflag:s4] =	ssyncset.done $0x0  }
0x6e: {  	[sflag:s4] =	ssyncadd.s32 $0xFFFFC000  }
0x6f: {  	_ =	swait.ge [sflag:s13], $0x4000  }
0x70: {  	[sflag:s13] =	ssyncset.done $0x0  }
0x71: {  	[sflag:s13] =	ssyncadd.s32 $0xFFFFC000  }
0x72: {  	[hbm4b:s14+s11] =	stream.strided.scatter [tilespmem:s9], [sflag:$0x5], $0x4000, s12, s11, $0x38;
	[tilespmem:$0x10400] =	vst v63  }
0x73: {  	_ =	swait.ge [sflag:s4], $0x4000  }
0x74: {  	[sflag:s4] =	ssyncset.done $0x0  }
0x75: {  	[sflag:s4] =	ssyncadd.s32 $0xFFFFC000  }
0x76: {  	[tilespmem:s16], [sflag:$0x2] =	stream.indirect.gather [hbm4b:s2+s8], $0x80, s15, s8, $0xb8;
	[tilespmem:$0x10400] =	vst v63  }
0x77: {  	_ = 	snop  }
0x78: {  	[tilespmem:s18], [sflag:$0x4] =	stream.indirect.gather [hbm4b:s2+s8], $0x80, s17, s8, $0xb8;
	[tilespmem:$0x10400] =	vst v63  }
0x79: {  	_ =	swait.ge [sflag:s19], $0x4000  }
0x7a: {  	[sflag:s19] =	ssyncset.done $0x0  }
0x7b: {  	[sflag:s19] =	ssyncadd.s32 $0xFFFFC000  }
0x7c: {  	[hbm4b:s20+s11] =	stream.strided.scatter [tilespmem:s16], [sflag:$0x5], $0x4000, s12, s11, $0x38;
	[tilespmem:$0x10400] =	vst v63  }
0x7d: {  	_ =	swait.ge [sflag:s4], $0x4000  }
0x7e: {  	[sflag:s4] =	ssyncset.done $0x0  }
0x7f: {  	[sflag:s4] =	ssyncadd.s32 $0xFFFFC000  }
0x80: {  	_ =	swait.ge [sflag:s21], $0x4000  }
0x81: {  	[sflag:s21] =	ssyncset.done $0x0  }
0x82: {  	[sflag:s21] =	ssyncadd.s32 $0xFFFFC000  }
0x83: {  	[hbm4b:s22+s11] =	stream.strided.scatter [tilespmem:s18], [sflag:$0x5], $0x4000, s12, s11, $0x38;
	[tilespmem:$0x10400] =	vst v63  }
0x84: {  	_ =	swait.ge [sflag:s4], $0x4000  }
0x85: {  	[sflag:s4] =	ssyncset.done $0x0  }
0x86: {  	[sflag:s4] =	ssyncadd.s32 $0xFFFFC000  }
0x87: {  	[tilespmem:s3], [sflag:$0x1] =	stream.indirect.gather [hbm4b:s2+s8], $0x80, s23, s8, $0xb8;
	[tilespmem:$0x10400] =	vst v63  }
0x88: {  	_ = 	snop  }
0x89: {  	[tilespmem:s9], [sflag:$0x3] =	stream.indirect.gather [hbm4b:s2+s8], $0x80, s24, s8, $0xb8;
	[tilespmem:$0x10400] =	vst v63  }
0x8a: {  	_ =	swait.ge [sflag:s7], $0x4000  }
0x8b: {  	[sflag:s7] =	ssyncset.done $0x0  }
0x8c: {  	[sflag:s7] =	ssyncadd.s32 $0xFFFFC000  }
0x8d: {  	[hbm4b:s25+s11] =	stream.strided.scatter [tilespmem:s3], [sflag:$0x5], $0x4000, s12, s11, $0x38;
	[tilespmem:$0x10400] =	vst v63  }
0x8e: {  	_ =	swait.ge [sflag:s4], $0x4000  }
0x8f: {  	[sflag:s4] =	ssyncset.done $0x0  }
0x90: {  	[sflag:s4] =	ssyncadd.s32 $0xFFFFC000  }
0x91: {  	_ =	swait.ge [sflag:s13], $0x4000  }
0x92: {  	[sflag:s13] =	ssyncset.done $0x0  }
0x93: {  	[sflag:s13] =	ssyncadd.s32 $0xFFFFC000  }
0x94: {  	[hbm4b:s26+s11] =	stream.strided.scatter [tilespmem:s9], [sflag:$0x5], $0x4000, s12, s11, $0x38;
	[tilespmem:$0x10400] =	vst v63  }
0x95: {  	_ =	swait.ge [sflag:s4], $0x4000  }
0x96: {  	[sflag:s4] =	ssyncset.done $0x0  }
0x97: {  	[sflag:s4] =	ssyncadd.s32 $0xFFFFC000  }
0x98: {  	[tilespmem:s16], [sflag:$0x2] =	stream.indirect.gather [hbm4b:s2+s8], $0x80, s28, s8, $0xb8;
	[tilespmem:$0x10400] =	vst v63  }
0x99: {  	_ = 	snop  }
0x9a: {  	[tilespmem:s18], [sflag:$0x4] =	stream.indirect.gather [hbm4b:s2+s8], $0x80, s29, s8, $0xb8;
	[tilespmem:$0x10400] =	vst v63  }
0x9b: {  	_ =	swait.ge [sflag:s19], $0x4000  }
0x9c: {  	[sflag:s19] =	ssyncset.done $0x0  }
0x9d: {  	[sflag:s19] =	ssyncadd.s32 $0xFFFFC000  }
0x9e: {  	[hbm4b:s30+s11] =	stream.strided.scatter [tilespmem:s16], [sflag:$0x5], $0x4000, s12, s11, $0x38;
	[tilespmem:$0x10400] =	vst v63  }
0x9f: {  	_ =	swait.ge [sflag:s4], $0x4000  }
0xa0: {  	[sflag:s4] =	ssyncset.done $0x0  }
0xa1: {  	p0 =	sne.s32 s1, $0x1;
	[sflag:s4] =	ssyncadd.s32 $0xFFFFC000  }
.Ltmp1:
0xa2: {  	_ =	swait.ge [sflag:s21], $0x4000;
	(pc) =	sbr.rel @p0 .LBB2_1-.Ltmp1, $4  }
0xa3: {  	[sflag:s21] =	ssyncset.done $0x0  }
0xa4: {  	[sflag:s21] =	ssyncadd.s32 $0xFFFFC000  }
0xa5: {  	[hbm4b:s31+s11] =	stream.strided.scatter [tilespmem:s18], [sflag:$0x5], $0x4000, s12, s11, $0x38;
	[tilespmem:$0x10400] =	vst v63  }
0xa6: {  	s1 =	sadd.s32 $0xFFFFFFFF, s1;
	_ =	swait.ge [sflag:s4], $0x4000  }
.LBB2_2:
0xa7: {  	[sflag:s4] =	ssyncset.done $0x0  }
0xa8: {  	[sflag:s4] =	ssyncadd.s32 $0xFFFFC000  }
0xa9: {  	_ =	sfence.sel $0x180000  }
0xaa: {  	[bflag:$0x0] =	sbarrier.arrive $0xFFFF  }
0xab: {  	_ =	strace $0x90000047  }
0xac: {  	s0 =	stileid.u32;
	[bflag:$0x2] =	sbarrier.arrive $0xFFFF  }
0xad: {  	p0 =	sne.s32 s0, $0x0;
	s0 =	rddreg [dreg:$0x3]  }
0xae: {  	s0 =	sadd.s32 @!p0 $0x100000, s0  }
0xaf: {  	[sflag:s0] =	ssyncadd.tile.s32 @!p0 $0x1;
	_ =	shalt  }
.Lfunc_end2:
_tile_overlayer_lowered:
.L_overlay_start_2:
0xb0: {  	(tag) =	ssettag $0x2  }
0xb1: {  	s0 =	rddreg [dreg:$0x0];
	s2 =	stileid.u32  }
0xb2: {  	s1 =	rddreg [dreg:$0x1];
	p0 =	sne.s32 s2, $0x0  }
0xb3: {  	s3 =	rddreg [dreg:$0x2];
	[bflag:$0x3] =	sbarrier.arrive $0xFFFF;
	s2 =	simm.s32 @!p0 $0x1C05  }
0xb4: {  	[timem:s3], [sflag:s2] =	dma.local @!p0 [hbm:s0], s1  }
0xb5: {  	s0 =	simm.s32 @!p0 $0x5  }
0xb6: {  	_ =	swait.ge @!p0 [sflag:s0], s1  }
0xb7: {  	s1 =	ssub.s32 @!p0 $0x0, s1;
	[sflag:s0] =	ssyncset.done @!p0 $0x0  }
0xb8: {  	[sflag:s0] =	ssyncadd.s32 @!p0 s1  }
0xb9: {  	[bflag:$0x3] =	sbarrier.arrive $0xFFFF  }
0xba: {  	_ =	shalt  }

</sc_bundles>
